<compile_context>
chip_gen: v7x
topology: tpu7x:2x2x1
jax: 0.10.2.dev20260603
libtpu: 0.0.44.dev20260713+nightly
codegen_flags: <defaults>
</compile_context>

<pallas_src>
import functools
import math

import jax
import jax.numpy as jnp
from jax import lax
from jax.experimental import pallas as pl
from jax.experimental.pallas import tpu as pltpu
from jax.experimental.pallas import tpu_sc as plsc

S = 2048
D = 1024
E = 8
FF = 2048
T = 64
SPAD = S + E * T
NT = SPAD // T
RB = 256
NRB = S // RB

NC, NS = 2, 16
NW = NC * NS
CHUNK = S // NW


def _router_body(x_ref, rw_ref, rb_ref, p_ref, comb_ref,
                 eid_s, rank_s, carry_s, eye_s, ut_s):
    b = pl.program_id(0)

    @pl.when(b == 0)
    def _():
        carry_s[...] = jnp.zeros_like(carry_s)
        row = lax.broadcasted_iota(jnp.int32, (RB, RB), 0)
        col = lax.broadcasted_iota(jnp.int32, (RB, RB), 1)
        eye_s[...] = (row == col).astype(jnp.float32)
        ut_s[...] = (row < col).astype(jnp.float32)

    logits = jnp.dot(x_ref[...], rw_ref[...],
                     preferred_element_type=jnp.float32) + rb_ref[...]
    m = jnp.max(logits, axis=1, keepdims=True)
    ex = jnp.exp(logits - m)
    probs = ex / jnp.sum(ex, axis=1, keepdims=True)
    eidc = jnp.argmax(probs, axis=1, keepdims=True).astype(jnp.int32)

    eiota = lax.broadcasted_iota(jnp.int32, (RB, E), 1)
    onehot = (eidc == eiota).astype(jnp.float32)

    onehot_t = lax.dot_general(onehot, eye_s[...], (((0,), (0,)), ((), ())),
                               preferred_element_type=jnp.float32)

    srow = lax.broadcasted_iota(jnp.int32, (E, RB), 0).astype(jnp.float32)
    eid_row = jnp.sum(onehot_t * srow, axis=0, keepdims=True)

    inblk = lax.dot_general(onehot_t, ut_s[...], (((1,), (0,)), ((), ())),
                            preferred_element_type=jnp.float32)
    tot = inblk + carry_s[:, 0:1]
    rank_row = jnp.sum(onehot_t * tot, axis=0, keepdims=True)
    carry_s[:, 0:1] = carry_s[:, 0:1] + jnp.sum(onehot_t, axis=1,
                                                keepdims=True)

    eid2 = jnp.concatenate([eid_row[:, 0:128], eid_row[:, 128:256]], axis=0)
    rank2 = jnp.concatenate([rank_row[:, 0:128], rank_row[:, 128:256]],
                            axis=0)
    eid16 = jnp.concatenate([eid2] * 8, axis=0).astype(jnp.int32)
    rank16 = jnp.concatenate([rank2] * 8, axis=0)
    rhalf = lax.broadcasted_iota(jnp.int32, (16, 128), 0) // 2
    eid_s[...] = jnp.where(rhalf == b, eid16, eid_s[...])
    rank_s[...] = jnp.where(rhalf == b, rank16, rank_s[...])

    @pl.when(b == NRB - 1)
    def _():
        counts = carry_s[:, 0:1]
        padded = ((counts + (T - 1)) // T) * T
        lt = (lax.broadcasted_iota(jnp.int32, (E, E), 0) >
              lax.broadcasted_iota(jnp.int32, (E, E), 1)).astype(jnp.float32)
        offs = jnp.dot(lt, padded, preferred_element_type=jnp.float32)
        incl = offs + padded
        sel = lax.broadcasted_iota(jnp.int32, (E, 1), 0)

        eids = eid_s[...]
        p = rank_s[...]
        for e in range(E):
            off_e = jnp.sum(jnp.where(sel == e, offs, 0.0))
            p = p + jnp.where(eids == e, off_e, 0.0)
        p_ref[...] = p.astype(jnp.int32)

        tstart = lax.broadcasted_iota(jnp.int32, (1, 128), 1) * T
        te = jnp.zeros((1, 128), jnp.int32)
        for e in range(E):
            end_e = jnp.sum(jnp.where(sel == e, incl, 0.0))
            te = te + (tstart >= end_e.astype(jnp.int32)).astype(jnp.int32)
        total = jnp.sum(padded).astype(jnp.int32)
        valid = (tstart < total).astype(jnp.int32)
        comb_ref[...] = jnp.concatenate(
            [jnp.minimum(te, E - 1), valid,
             jnp.zeros((6, 128), jnp.int32)], axis=0)


def _run_router(x2, route_W, route_b):
    return pl.pallas_call(
        _router_body,
        grid=(NRB,),
        in_specs=[
            pl.BlockSpec((RB, D), lambda i: (i, 0)),
            pl.BlockSpec((D, E), lambda i: (0, 0)),
            pl.BlockSpec((1, E), lambda i: (0, 0)),
        ],
        out_specs=[
            pl.BlockSpec((16, 128), lambda i: (0, 0)),
            pl.BlockSpec((8, 128), lambda i: (0, 0)),
        ],
        out_shape=[
            jax.ShapeDtypeStruct((16, 128), jnp.int32),
            jax.ShapeDtypeStruct((8, 128), jnp.int32),
        ],
        scratch_shapes=[
            pltpu.VMEM((16, 128), jnp.int32),
            pltpu.VMEM((16, 128), jnp.float32),
            pltpu.VMEM((8, 128), jnp.float32),
            pltpu.VMEM((RB, RB), jnp.float32),
            pltpu.VMEM((RB, RB), jnp.float32),
        ],
    )(x2, route_W, route_b.reshape(1, E))


def _make_scatter():
    mesh = plsc.VectorSubcoreMesh(core_axis_name="c", subcore_axis_name="s")

    @functools.partial(
        pl.kernel,
        mesh=mesh,
        out_type=jax.ShapeDtypeStruct((SPAD, D), jnp.float32),
        scratch_types=[
            pltpu.VMEM((CHUNK,), jnp.int32),
            pltpu.VMEM((CHUNK, D), jnp.float32),
            pltpu.SemaphoreType.DMA,
        ],
    )
    def scatter_k(x_hbm, p_hbm, xs_hbm, idx_v, rows_v, sem):
        wid = lax.axis_index("s") * NC + lax.axis_index("c")
        base = wid * CHUNK
        pltpu.sync_copy(p_hbm.at[pl.ds(base, CHUNK)], idx_v)
        pltpu.sync_copy(x_hbm.at[pl.ds(base, CHUNK)], rows_v)
        pltpu.async_copy(rows_v, xs_hbm.at[idx_v], sem).wait()

    return scatter_k


def _ffn_body(c_ref, xs_ref, w1_ref, b1_ref, w2_ref, b2_ref, out_ref):
    t = pl.program_id(0)

    @pl.when(c_ref[128 + t] != 0)
    def _():
        te = c_ref[t]
        sel = lax.broadcasted_iota(jnp.int32, (E, 1), 0) == te
        b1r = jnp.sum(jnp.where(sel, b1_ref[...], 0.0), axis=0,
                      keepdims=True)
        b2r = jnp.sum(jnp.where(sel, b2_ref[...], 0.0), axis=0,
                      keepdims=True)
        h = jnp.dot(xs_ref[...], w1_ref[0],
                    preferred_element_type=jnp.float32) + b1r
        g = 0.5 * h * (1.0 + lax.erf(h * (1.0 / math.sqrt(2.0))))
        out_ref[...] = jnp.dot(g, w2_ref[0],
                               preferred_element_type=jnp.float32) + b2r


def _run_ffn(comb, xs, W1, b1, W2, b2):
    grid_spec = pltpu.PrefetchScalarGridSpec(
        num_scalar_prefetch=1,
        grid=(NT,),
        in_specs=[
            pl.BlockSpec((T, D), lambda t, c: (t, 0)),
            pl.BlockSpec((1, D, FF), lambda t, c: (c[t], 0, 0)),
            pl.BlockSpec((E, FF), lambda t, c: (0, 0)),
            pl.BlockSpec((1, FF, D), lambda t, c: (c[t], 0, 0)),
            pl.BlockSpec((E, D), lambda t, c: (0, 0)),
        ],
        out_specs=pl.BlockSpec((T, D), lambda t, c: (t, 0)),
    )
    return pl.pallas_call(
        _ffn_body,
        grid_spec=grid_spec,
        out_shape=jax.ShapeDtypeStruct((SPAD, D), jnp.float32),
        compiler_params=pltpu.CompilerParams(
            vmem_limit_bytes=100 * 1024 * 1024),
    )(comb, xs, W1, b1, W2, b2)


def _make_gather():
    mesh = plsc.VectorSubcoreMesh(core_axis_name="c", subcore_axis_name="s")

    @functools.partial(
        pl.kernel,
        mesh=mesh,
        out_type=jax.ShapeDtypeStruct((S, D), jnp.float32),
        scratch_types=[
            pltpu.VMEM((CHUNK,), jnp.int32),
            pltpu.VMEM((CHUNK, D), jnp.float32),
            pltpu.SemaphoreType.DMA,
        ],
    )
    def gather_k(ys_hbm, p_hbm, out_hbm, idx_v, rows_v, sem):
        wid = lax.axis_index("s") * NC + lax.axis_index("c")
        base = wid * CHUNK
        pltpu.sync_copy(p_hbm.at[pl.ds(base, CHUNK)], idx_v)
        pltpu.async_copy(ys_hbm.at[idx_v], rows_v, sem).wait()
        pltpu.sync_copy(rows_v, out_hbm.at[pl.ds(base, CHUNK)])

    return gather_k


_scatter_k = _make_scatter()
_gather_k = _make_gather()


def kernel(x, route_W, route_b, W1, b1, W2, b2):
    x2 = x.reshape(S, D)
    p2, comb2 = _run_router(x2, route_W, route_b)
    p = p2.reshape(S)
    comb = comb2.reshape(8 * 128)
    xs = _scatter_k(x2, p)
    ys = _run_ffn(comb, xs, W1, b1, W2, b2)
    out = _gather_k(ys, p)
    return out.reshape(1, S, D)

# --- scband reference (transcript-rebuilt; emitter-appended) ---
"""Pipeline reference for scband-switch-feed-forward-24378234372444 (READ-ONLY COPY).

The authoritative reference and input builder live on the scoring server;
editing this copy changes nothing except your own understanding.
"""

import jax, jax.numpy as jnp
import numpy as np

B, S, DIM = 1, 2048, 1024
E, FF = 8, 2048

def setup_inputs(seed: int = 0) -> dict:
    key = jax.random.key(seed)
    ks = jax.random.split(key, 8)
    x = jax.random.normal(ks[0], (B, S, DIM), dtype=jnp.float32)
    route_W = jax.random.normal(ks[1], (DIM, E), dtype=jnp.float32) * 0.02
    route_b = jnp.zeros((E,), dtype=jnp.float32)
    W1 = jax.random.normal(ks[2], (E, DIM, FF), dtype=jnp.float32) * 0.02
    b1 = jnp.zeros((E, FF), dtype=jnp.float32)
    W2 = jax.random.normal(ks[3], (E, FF, DIM), dtype=jnp.float32) * 0.02
    b2 = jnp.zeros((E, DIM), dtype=jnp.float32)
    return {"x": x, "route_W": route_W, "route_b": route_b, "W1": W1, "b1": b1, "W2": W2, "b2": b2}

def reference(x, route_W, route_b, W1, b1, W2, b2):
    # router: linear -> softmax -> argmax (top-1 switch routing)
    route_logits = jnp.einsum('bsd,de->bse', x, route_W) + route_b
    routing_weights = jax.nn.softmax(route_logits, axis=-1)
    selected_expert = jnp.argmax(routing_weights, axis=-1)  # [B, S]
    # note: capacity is computed in the torch module but never used to drop tokens,
    # and routing weights do not scale the output (faithful to the reference forward)
    final_output = jnp.zeros_like(x)
    for e in range(E):
        h = jnp.einsum('bsd,df->bsf', x, W1[e]) + b1[e]
        h = jax.nn.gelu(h, approximate=False)
        h = jnp.einsum('bsf,fd->bsd', h, W2[e]) + b2[e]
        mask = (selected_expert == e)[..., None]
        final_output = jnp.where(mask, h, final_output)
    return final_output

if __name__ == "__main__":
    import jax
    _d = setup_inputs()
    print(jax.jit(kernel)(*tuple(_d.values())))

</pallas_src>

<mosaic_0001>
#map = affine_map<(d0, d1) -> (0, 0)>
#map1 = affine_map<(d0, d1) -> (0)>
module attributes {stable_mosaic.version = 14 : i64} {
  func.func @gather_k(%arg0: i32, %arg1: i32, %arg2: memref<2560x1024xf32, #tpu.memory_space<hbm>>, %arg3: memref<2048xi32, #tpu.memory_space<hbm>>, %arg4: memref<2048x1024xf32, #tpu.memory_space<hbm>>, %arg5: memref<64xi32, #tpu.memory_space<vmem>>, %arg6: memref<64x1024xf32, #tpu.memory_space<vmem>>, %arg7: memref<!tpu.dma_semaphore, #tpu.memory_space<semaphore_mem>>) attributes {dimension_semantics = [#tpu.dimension_semantics<core_parallel>, #tpu.dimension_semantics<subcore_parallel>], iteration_bounds = array<i64: 2, 16>, scalar_prefetch = 0 : i64, scratch_operands = 3 : i64, tpu.core_type = #tpu.core_type<sc_vector_subcore>, window_params = [{transform_indices = #map}, {transform_indices = #map1}, {transform_indices = #map}]} {
    %mul3A = arith.constant 2 : i32
    %mul3A_0 = arith.muli %arg1, %mul3A : i32
    %add3A = arith.addi %mul3A_0, %arg0 : i32
    %mul3A_1 = arith.constant 64 : i32
    %mul3A_2 = arith.muli %add3A, %mul3A_1 : i32
    "tpu.region"() ({
      %run_scoped3A = tpu.sem_alloc : memref<!tpu.dma_semaphore, #tpu.memory_space<semaphore_mem>>
      %dma_start3A_7 = tpu.memref_slice %arg3[%mul3A_2] : memref<2048xi32, #tpu.memory_space<hbm>> -> memref<64xi32, #tpu.memory_space<hbm>>
      %dma_start3A_8 = tpu.memref_slice %arg3[%mul3A_2] : memref<2048xi32, #tpu.memory_space<hbm>> -> memref<64xi32, #tpu.memory_space<hbm>>
      tpu.enqueue_dma source(%dma_start3A_8 : memref<64xi32, #tpu.memory_space<hbm>>) target(%arg5 : memref<64xi32, #tpu.memory_space<vmem>>) target_semaphore(%run_scoped3A : memref<!tpu.dma_semaphore, #tpu.memory_space<semaphore_mem>>)
      %dma_wait3A_9 = tpu.memref_slice %arg3[%mul3A_2] : memref<2048xi32, #tpu.memory_space<hbm>> -> memref<64xi32, #tpu.memory_space<hbm>>
      %dma_wait3A_10 = tpu.memref_slice %arg3[%mul3A_2] : memref<2048xi32, #tpu.memory_space<hbm>> -> memref<64xi32, #tpu.memory_space<hbm>>
      tpu.wait_dma2 semaphore(%run_scoped3A : memref<!tpu.dma_semaphore, #tpu.memory_space<semaphore_mem>>) src(%dma_wait3A_10 : memref<64xi32, #tpu.memory_space<hbm>>) dst(%arg5 : memref<64xi32, #tpu.memory_space<vmem>>)
      tpu.yield
    }) : () -> ()
    %dma_start3A = arith.constant 0 : i32
    %dma_start3A_3 = arith.constant 0 : i32
    %dma_start3A_4 = tpu.memref_slice %arg2[%dma_start3A, %dma_start3A_3] : memref<2560x1024xf32, #tpu.memory_space<hbm>> -> memref<2560x1024xf32, #tpu.memory_space<hbm>>
    tpu.enqueue_indirect_dma source(%dma_start3A_4 : memref<2560x1024xf32, #tpu.memory_space<hbm>>) target(%arg6 : memref<64x1024xf32, #tpu.memory_space<vmem>>) offsets(%arg5 : memref<64xi32, #tpu.memory_space<vmem>>) semaphore(%arg7 : memref<!tpu.dma_semaphore, #tpu.memory_space<semaphore_mem>>)
    %dma_wait3A = arith.constant 0 : i32
    %dma_wait3A_5 = arith.constant 0 : i32
    %dma_wait3A_6 = tpu.memref_slice %arg2[%dma_wait3A, %dma_wait3A_5] : memref<2560x1024xf32, #tpu.memory_space<hbm>> -> memref<2560x1024xf32, #tpu.memory_space<hbm>>
    tpu.wait_indirect_dma semaphore(%arg7 : memref<!tpu.dma_semaphore, #tpu.memory_space<semaphore_mem>>) src(%dma_wait3A_6 : memref<2560x1024xf32, #tpu.memory_space<hbm>>) dst(%arg6 : memref<64x1024xf32, #tpu.memory_space<vmem>>)
    "tpu.region"() ({
      %run_scoped3A = tpu.sem_alloc : memref<!tpu.dma_semaphore, #tpu.memory_space<semaphore_mem>>
      %dma_start3A_7 = arith.constant 0 : i32
      %dma_start3A_8 = tpu.memref_slice %arg4[%mul3A_2, %dma_start3A_7] : memref<2048x1024xf32, #tpu.memory_space<hbm>> -> memref<64x1024xf32, #tpu.memory_space<hbm>>
      %dma_start3A_9 = arith.constant 0 : i32
      %dma_start3A_10 = tpu.memref_slice %arg4[%mul3A_2, %dma_start3A_9] : memref<2048x1024xf32, #tpu.memory_space<hbm>> -> memref<64x1024xf32, #tpu.memory_space<hbm>>
      tpu.enqueue_dma source(%arg6 : memref<64x1024xf32, #tpu.memory_space<vmem>>) target(%dma_start3A_10 : memref<64x1024xf32, #tpu.memory_space<hbm>>) target_semaphore(%run_scoped3A : memref<!tpu.dma_semaphore, #tpu.memory_space<semaphore_mem>>)
      %dma_wait3A_11 = arith.constant 0 : i32
      %dma_wait3A_12 = tpu.memref_slice %arg4[%mul3A_2, %dma_wait3A_11] : memref<2048x1024xf32, #tpu.memory_space<hbm>> -> memref<64x1024xf32, #tpu.memory_space<hbm>>
      %dma_wait3A_13 = arith.constant 0 : i32
      %dma_wait3A_14 = tpu.memref_slice %arg4[%mul3A_2, %dma_wait3A_13] : memref<2048x1024xf32, #tpu.memory_space<hbm>> -> memref<64x1024xf32, #tpu.memory_space<hbm>>
      tpu.wait_dma2 semaphore(%run_scoped3A : memref<!tpu.dma_semaphore, #tpu.memory_space<semaphore_mem>>) src(%arg6 : memref<64x1024xf32, #tpu.memory_space<vmem>>) dst(%dma_wait3A_14 : memref<64x1024xf32, #tpu.memory_space<hbm>>)
      tpu.yield
    }) : () -> ()
    return
  }
}

#map = affine_map<(d0, d1) -> (0, 0)>
#map1 = affine_map<(d0, d1) -> (0)>
module attributes {stable_mosaic.version = 14 : i64} {
  func.func @scatter_k(%arg0: i32, %arg1: i32, %arg2: memref<2048x1024xf32, #tpu.memory_space<hbm>>, %arg3: memref<2048xi32, #tpu.memory_space<hbm>>, %arg4: memref<2560x1024xf32, #tpu.memory_space<hbm>>, %arg5: memref<64xi32, #tpu.memory_space<vmem>>, %arg6: memref<64x1024xf32, #tpu.memory_space<vmem>>, %arg7: memref<!tpu.dma_semaphore, #tpu.memory_space<semaphore_mem>>) attributes {dimension_semantics = [#tpu.dimension_semantics<core_parallel>, #tpu.dimension_semantics<subcore_parallel>], iteration_bounds = array<i64: 2, 16>, scalar_prefetch = 0 : i64, scratch_operands = 3 : i64, tpu.core_type = #tpu.core_type<sc_vector_subcore>, window_params = [{transform_indices = #map}, {transform_indices = #map1}, {transform_indices = #map}]} {
    %mul3A = arith.constant 2 : i32
    %mul3A_0 = arith.muli %arg1, %mul3A : i32
    %add3A = arith.addi %mul3A_0, %arg0 : i32
    %mul3A_1 = arith.constant 64 : i32
    %mul3A_2 = arith.muli %add3A, %mul3A_1 : i32
    "tpu.region"() ({
      %run_scoped3A = tpu.sem_alloc : memref<!tpu.dma_semaphore, #tpu.memory_space<semaphore_mem>>
      %dma_start3A_7 = tpu.memref_slice %arg3[%mul3A_2] : memref<2048xi32, #tpu.memory_space<hbm>> -> memref<64xi32, #tpu.memory_space<hbm>>
      %dma_start3A_8 = tpu.memref_slice %arg3[%mul3A_2] : memref<2048xi32, #tpu.memory_space<hbm>> -> memref<64xi32, #tpu.memory_space<hbm>>
      tpu.enqueue_dma source(%dma_start3A_8 : memref<64xi32, #tpu.memory_space<hbm>>) target(%arg5 : memref<64xi32, #tpu.memory_space<vmem>>) target_semaphore(%run_scoped3A : memref<!tpu.dma_semaphore, #tpu.memory_space<semaphore_mem>>)
      %dma_wait3A_9 = tpu.memref_slice %arg3[%mul3A_2] : memref<2048xi32, #tpu.memory_space<hbm>> -> memref<64xi32, #tpu.memory_space<hbm>>
      %dma_wait3A_10 = tpu.memref_slice %arg3[%mul3A_2] : memref<2048xi32, #tpu.memory_space<hbm>> -> memref<64xi32, #tpu.memory_space<hbm>>
      tpu.wait_dma2 semaphore(%run_scoped3A : memref<!tpu.dma_semaphore, #tpu.memory_space<semaphore_mem>>) src(%dma_wait3A_10 : memref<64xi32, #tpu.memory_space<hbm>>) dst(%arg5 : memref<64xi32, #tpu.memory_space<vmem>>)
      tpu.yield
    }) : () -> ()
    "tpu.region"() ({
      %run_scoped3A = tpu.sem_alloc : memref<!tpu.dma_semaphore, #tpu.memory_space<semaphore_mem>>
      %dma_start3A_7 = arith.constant 0 : i32
      %dma_start3A_8 = tpu.memref_slice %arg2[%mul3A_2, %dma_start3A_7] : memref<2048x1024xf32, #tpu.memory_space<hbm>> -> memref<64x1024xf32, #tpu.memory_space<hbm>>
      %dma_start3A_9 = arith.constant 0 : i32
      %dma_start3A_10 = tpu.memref_slice %arg2[%mul3A_2, %dma_start3A_9] : memref<2048x1024xf32, #tpu.memory_space<hbm>> -> memref<64x1024xf32, #tpu.memory_space<hbm>>
      tpu.enqueue_dma source(%dma_start3A_10 : memref<64x1024xf32, #tpu.memory_space<hbm>>) target(%arg6 : memref<64x1024xf32, #tpu.memory_space<vmem>>) target_semaphore(%run_scoped3A : memref<!tpu.dma_semaphore, #tpu.memory_space<semaphore_mem>>)
      %dma_wait3A_11 = arith.constant 0 : i32
      %dma_wait3A_12 = tpu.memref_slice %arg2[%mul3A_2, %dma_wait3A_11] : memref<2048x1024xf32, #tpu.memory_space<hbm>> -> memref<64x1024xf32, #tpu.memory_space<hbm>>
      %dma_wait3A_13 = arith.constant 0 : i32
      %dma_wait3A_14 = tpu.memref_slice %arg2[%mul3A_2, %dma_wait3A_13] : memref<2048x1024xf32, #tpu.memory_space<hbm>> -> memref<64x1024xf32, #tpu.memory_space<hbm>>
      tpu.wait_dma2 semaphore(%run_scoped3A : memref<!tpu.dma_semaphore, #tpu.memory_space<semaphore_mem>>) src(%dma_wait3A_14 : memref<64x1024xf32, #tpu.memory_space<hbm>>) dst(%arg6 : memref<64x1024xf32, #tpu.memory_space<vmem>>)
      tpu.yield
    }) : () -> ()
    %dma_start3A = arith.constant 0 : i32
    %dma_start3A_3 = arith.constant 0 : i32
    %dma_start3A_4 = tpu.memref_slice %arg4[%dma_start3A, %dma_start3A_3] : memref<2560x1024xf32, #tpu.memory_space<hbm>> -> memref<2560x1024xf32, #tpu.memory_space<hbm>>
    tpu.enqueue_indirect_dma source(%arg6 : memref<64x1024xf32, #tpu.memory_space<vmem>>) target(%dma_start3A_4 : memref<2560x1024xf32, #tpu.memory_space<hbm>>) offsets(%arg5 : memref<64xi32, #tpu.memory_space<vmem>>) semaphore(%arg7 : memref<!tpu.dma_semaphore, #tpu.memory_space<semaphore_mem>>)
    %dma_wait3A = arith.constant 0 : i32
    %dma_wait3A_5 = arith.constant 0 : i32
    %dma_wait3A_6 = tpu.memref_slice %arg4[%dma_wait3A, %dma_wait3A_5] : memref<2560x1024xf32, #tpu.memory_space<hbm>> -> memref<2560x1024xf32, #tpu.memory_space<hbm>>
    tpu.wait_indirect_dma semaphore(%arg7 : memref<!tpu.dma_semaphore, #tpu.memory_space<semaphore_mem>>) src(%arg6 : memref<64x1024xf32, #tpu.memory_space<vmem>>) dst(%dma_wait3A_6 : memref<2560x1024xf32, #tpu.memory_space<hbm>>)
    return
  }
}

module attributes {stable_mosaic.version = 14 : i64} {
  func.func @_router_body(%arg0: i32, %arg1: memref<256x1024xf32, #tpu.memory_space<vmem>>, %arg2: memref<1024x8xf32, #tpu.memory_space<vmem>>, %arg3: memref<1x8xf32, #tpu.memory_space<vmem>>, %arg4: memref<16x128xi32, #tpu.memory_space<vmem>>, %arg5: memref<8x128xi32, #tpu.memory_space<vmem>>, %arg6: memref<16x128xi32, #tpu.memory_space<vmem>>, %arg7: memref<16x128xf32, #tpu.memory_space<vmem>>, %arg8: memref<8x128xf32, #tpu.memory_space<vmem>>, %arg9: memref<256x256xf32, #tpu.memory_space<vmem>>, %arg10: memref<256x256xf32, #tpu.memory_space<vmem>>) attributes {dimension_semantics = [#tpu.dimension_semantics<arbitrary>], iteration_bounds = array<i64: 8>, scalar_prefetch = 0 : i64, scratch_operands = 5 : i64, tpu.core_type = #tpu.core_type<tc>, window_params = [{transform_indices = @transform_0, window_bounds = array<i64: 256, 1024>}, {pipeline_mode = #tpu.pipeline_mode<synchronous>, transform_indices = @transform_1, window_bounds = array<i64: 1024, 8>}, {pipeline_mode = #tpu.pipeline_mode<synchronous>, transform_indices = @transform_2, window_bounds = array<i64: 1, 8>}, {pipeline_mode = #tpu.pipeline_mode<synchronous>, transform_indices = @transform_3, window_bounds = array<i64: 16, 128>}, {pipeline_mode = #tpu.pipeline_mode<synchronous>, transform_indices = @transform_4, window_bounds = array<i64: 8, 128>}]} {
    %eq3A = arith.constant 0 : i32
    %eq3A_0 = arith.cmpi eq, %arg0, %eq3A : i32
    %convert_element_type3A = arith.extui %eq3A_0 : i1 to i32
    %cond3A = arith.constant 0 : i32
    %cond3A_1 = arith.cmpi ne, %convert_element_type3A, %cond3A : i32
    scf.if %cond3A_1 {
      %broadcast_in_dim3A_111 = arith.constant 0.000000e+00 : f32
      %broadcast_in_dim3A_112 = vector.broadcast %broadcast_in_dim3A_111 : f32 to vector<8x128xf32>
      %swap3A_113 = arith.constant 0 : index
      %swap3A_114 = arith.constant 0 : index
      %swap3A_115 = vector.load %arg8[%swap3A_113, %swap3A_114] : memref<8x128xf32, #tpu.memory_space<vmem>>, vector<8x128xf32>
      tpu.vector_store %arg8[%swap3A_113, %swap3A_114], %broadcast_in_dim3A_112 {strides = array<i32>} : memref<8x128xf32, #tpu.memory_space<vmem>>, vector<8x128xf32>,
      %iota3A_116 = tpu.iota {dimensions = array<i32: 0>} : vector<256x256xi32>
      %iota3A_117 = tpu.iota {dimensions = array<i32: 1>} : vector<256x256xi32>
      %eq3A_118 = arith.cmpi eq, %iota3A_116, %iota3A_117 : vector<256x256xi32>
      %convert_element_type3A_119 = arith.extui %eq3A_118 : vector<256x256xi1> to vector<256x256xi32>
      %convert_element_type3A_120 = arith.sitofp %convert_element_type3A_119 : vector<256x256xi32> to vector<256x256xf32>
      %swap3A_121 = arith.constant 0 : index
      %swap3A_122 = arith.constant 0 : index
      %swap3A_123 = vector.load %arg9[%swap3A_121, %swap3A_122] : memref<256x256xf32, #tpu.memory_space<vmem>>, vector<256x256xf32>
      tpu.vector_store %arg9[%swap3A_121, %swap3A_122], %convert_element_type3A_120 {strides = array<i32>} : memref<256x256xf32, #tpu.memory_space<vmem>>, vector<256x256xf32>,
      %lt3A = arith.cmpi slt, %iota3A_116, %iota3A_117 : vector<256x256xi32>
      %convert_element_type3A_124 = arith.extui %lt3A : vector<256x256xi1> to vector<256x256xi32>
      %convert_element_type3A_125 = arith.sitofp %convert_element_type3A_124 : vector<256x256xi32> to vector<256x256xf32>
      %swap3A_126 = arith.constant 0 : index
      %swap3A_127 = arith.constant 0 : index
      %swap3A_128 = vector.load %arg10[%swap3A_126, %swap3A_127] : memref<256x256xf32, #tpu.memory_space<vmem>>, vector<256x256xf32>
      tpu.vector_store %arg10[%swap3A_126, %swap3A_127], %convert_element_type3A_125 {strides = array<i32>} : memref<256x256xf32, #tpu.memory_space<vmem>>, vector<256x256xf32>,
    } else {
    }
    %get3A = arith.constant 0 : index
    %get3A_2 = arith.constant 0 : index
    %get3A_3 = vector.load %arg1[%get3A, %get3A_2] : memref<256x1024xf32, #tpu.memory_space<vmem>>, vector<256x1024xf32>
    %get3A_4 = arith.constant 0 : index
    %get3A_5 = arith.constant 0 : index
    %get3A_6 = vector.load %arg2[%get3A_4, %get3A_5] : memref<1024x8xf32, #tpu.memory_space<vmem>>, vector<1024x8xf32>
    %dot_general3A = arith.constant dense<0.000000e+00> : vector<256x8xf32>
    %dot_general3A_7 = tpu.matmul %get3A_3, %get3A_6, %dot_general3A {dimension_numbers = #tpu.dot_dimension_numbers<[1], [0], [0], [1], [0, 0, 1, 1], [], []>, transpose_lhs_hint = false} : vector<256x1024xf32>, vector<1024x8xf32>, vector<256x8xf32> -> vector<256x8xf32>
    %get3A_8 = arith.constant 0 : index
    %get3A_9 = arith.constant 0 : index
    %get3A_10 = vector.load %arg3[%get3A_8, %get3A_9] : memref<1x8xf32, #tpu.memory_space<vmem>>, vector<1x8xf32>
    %add3A = vector.broadcast %get3A_10 : vector<1x8xf32> to vector<256x8xf32>
    %add3A_11 = arith.addf %dot_general3A_7, %add3A : vector<256x8xf32>
    %reduce_max3A = arith.constant dense<0xFF800000> : vector<256xf32>
    %reduce_max3A_12 = vector.multi_reduction <maximumf>, %add3A_11, %reduce_max3A [1] : vector<256x8xf32> to vector<256xf32>
    %broadcast_in_dim3A = vector.shape_cast %reduce_max3A_12 : vector<256xf32> to vector<256x1xf32>
    %sub3A = vector.broadcast %broadcast_in_dim3A : vector<256x1xf32> to vector<256x8xf32>
    %sub3A_13 = arith.subf %add3A_11, %sub3A : vector<256x8xf32>
    %exp3A = math.exp %sub3A_13 : vector<256x8xf32>
    %reduce_sum3A = arith.constant dense<0.000000e+00> : vector<256xf32>
    %reduce_sum3A_14 = vector.multi_reduction <add>, %exp3A, %reduce_sum3A [1] : vector<256x8xf32> to vector<256xf32>
    %broadcast_in_dim3A_15 = vector.shape_cast %reduce_sum3A_14 : vector<256xf32> to vector<256x1xf32>
    %div3A = vector.broadcast %broadcast_in_dim3A_15 : vector<256x1xf32> to vector<256x8xf32>
    %div3A_16 = arith.divf %exp3A, %div3A : vector<256x8xf32>
    %argmax3A = tpu.reduce_index %div3A_16 {axis = 1 : i32, kind = #tpu.reduction_kind<arg_max>} : vector<256x8xf32> -> vector<256xi32>
    %broadcast_in_dim3A_17 = vector.shape_cast %argmax3A : vector<256xi32> to vector<256x1xi32>
    %iota3A = tpu.iota {dimensions = array<i32: 1>} : vector<256x8xi32>
    %eq3A_18 = vector.broadcast %broadcast_in_dim3A_17 : vector<256x1xi32> to vector<256x8xi32>
    %eq3A_19 = arith.cmpi eq, %eq3A_18, %iota3A : vector<256x8xi32>
    %convert_element_type3A_20 = arith.extui %eq3A_19 : vector<256x8xi1> to vector<256x8xi32>
    %convert_element_type3A_21 = arith.sitofp %convert_element_type3A_20 : vector<256x8xi32> to vector<256x8xf32>
    %get3A_22 = arith.constant 0 : index
    %get3A_23 = arith.constant 0 : index
    %get3A_24 = vector.load %arg9[%get3A_22, %get3A_23] : memref<256x256xf32, #tpu.memory_space<vmem>>, vector<256x256xf32>
    %dot_general3A_25 = arith.constant dense<0.000000e+00> : vector<8x256xf32>
    %dot_general3A_26 = tpu.matmul %convert_element_type3A_21, %get3A_24, %dot_general3A_25 {dimension_numbers = #tpu.dot_dimension_numbers<[0], [0], [1], [1], [0, 1, 1, 1], [], []>, transpose_lhs_hint = false} : vector<256x8xf32>, vector<256x256xf32>, vector<8x256xf32> -> vector<8x256xf32>
    %iota3A_27 = tpu.iota {dimensions = array<i32: 0>} : vector<8x256xi32>
    %convert_element_type3A_28 = arith.sitofp %iota3A_27 : vector<8x256xi32> to vector<8x256xf32>
    %mul3A = arith.mulf %dot_general3A_26, %convert_element_type3A_28 : vector<8x256xf32>
    %reduce_sum3A_29 = arith.constant dense<0.000000e+00> : vector<256xf32>
    %reduce_sum3A_30 = vector.multi_reduction <add>, %mul3A, %reduce_sum3A_29 [0] : vector<8x256xf32> to vector<256xf32>
    %broadcast_in_dim3A_31 = vector.shape_cast %reduce_sum3A_30 : vector<256xf32> to vector<1x256xf32>
    %get3A_32 = arith.constant 0 : index
    %get3A_33 = arith.constant 0 : index
    %get3A_34 = vector.load %arg10[%get3A_32, %get3A_33] : memref<256x256xf32, #tpu.memory_space<vmem>>, vector<256x256xf32>
    %dot_general3A_35 = arith.constant dense<0.000000e+00> : vector<8x256xf32>
    %dot_general3A_36 = tpu.matmul %dot_general3A_26, %get3A_34, %dot_general3A_35 {dimension_numbers = #tpu.dot_dimension_numbers<[1], [0], [0], [1], [0, 0, 1, 1], [], []>, transpose_lhs_hint = false} : vector<8x256xf32>, vector<256x256xf32>, vector<8x256xf32> -> vector<8x256xf32>
    %get3A_37 = arith.constant 0 : index
    %get3A_38 = arith.constant 0 : index
    %get3A_39 = vector.load %arg8[%get3A_37, %get3A_38] : memref<8x128xf32, #tpu.memory_space<vmem>>, vector<8x1xf32>
    %add3A_40 = vector.broadcast %get3A_39 : vector<8x1xf32> to vector<8x256xf32>
    %add3A_41 = arith.addf %dot_general3A_36, %add3A_40 : vector<8x256xf32>
    %mul3A_42 = arith.mulf %dot_general3A_26, %add3A_41 : vector<8x256xf32>
    %reduce_sum3A_43 = arith.constant dense<0.000000e+00> : vector<256xf32>
    %reduce_sum3A_44 = vector.multi_reduction <add>, %mul3A_42, %reduce_sum3A_43 [0] : vector<8x256xf32> to vector<256xf32>
    %broadcast_in_dim3A_45 = vector.shape_cast %reduce_sum3A_44 : vector<256xf32> to vector<1x256xf32>
    %get3A_46 = arith.constant 0 : index
    %get3A_47 = arith.constant 0 : index
    %get3A_48 = vector.load %arg8[%get3A_46, %get3A_47] : memref<8x128xf32, #tpu.memory_space<vmem>>, vector<8x1xf32>
    %reduce_sum3A_49 = arith.constant dense<0.000000e+00> : vector<8xf32>
    %reduce_sum3A_50 = vector.multi_reduction <add>, %dot_general3A_26, %reduce_sum3A_49 [1] : vector<8x256xf32> to vector<8xf32>
    %broadcast_in_dim3A_51 = vector.shape_cast %reduce_sum3A_50 : vector<8xf32> to vector<8x1xf32>
    %add3A_52 = arith.addf %get3A_48, %broadcast_in_dim3A_51 : vector<8x1xf32>
    %swap3A = arith.constant 0 : index
    %swap3A_53 = arith.constant 0 : index
    %swap3A_54 = vector.load %arg8[%swap3A, %swap3A_53] : memref<8x128xf32, #tpu.memory_space<vmem>>, vector<8x1xf32>
    tpu.vector_store %arg8[%swap3A, %swap3A_53], %add3A_52 {strides = array<i32>} : memref<8x128xf32, #tpu.memory_space<vmem>>, vector<8x1xf32>,
    %slice3A = vector.extract_strided_slice %broadcast_in_dim3A_31 {offsets = [0, 0], sizes = [1, 128], strides = [1, 1]} : vector<1x256xf32> to vector<1x128xf32>
    %slice3A_55 = vector.extract_strided_slice %broadcast_in_dim3A_31 {offsets = [0, 128], sizes = [1, 128], strides = [1, 1]} : vector<1x256xf32> to vector<1x128xf32>
    %concatenate3A = tpu.concatenate %slice3A, %slice3A_55 in 0 : vector<1x128xf32>, vector<1x128xf32> -> vector<2x128xf32>
    %slice3A_56 = vector.extract_strided_slice %broadcast_in_dim3A_45 {offsets = [0, 0], sizes = [1, 128], strides = [1, 1]} : vector<1x256xf32> to vector<1x128xf32>
    %slice3A_57 = vector.extract_strided_slice %broadcast_in_dim3A_45 {offsets = [0, 128], sizes = [1, 128], strides = [1, 1]} : vector<1x256xf32> to vector<1x128xf32>
    %concatenate3A_58 = tpu.concatenate %slice3A_56, %slice3A_57 in 0 : vector<1x128xf32>, vector<1x128xf32> -> vector<2x128xf32>
    %concatenate3A_59 = tpu.concatenate %concatenate3A, %concatenate3A, %concatenate3A, %concatenate3A, %concatenate3A, %concatenate3A, %concatenate3A, %concatenate3A in 0 : vector<2x128xf32>, vector<2x128xf32>, vector<2x128xf32>, vector<2x128xf32>, vector<2x128xf32>, vector<2x128xf32>, vector<2x128xf32>, vector<2x128xf32> -> vector<16x128xf32>
    %convert_element_type3A_60 = arith.fptosi %concatenate3A_59 : vector<16x128xf32> to vector<16x128xi32>
    %concatenate3A_61 = tpu.concatenate %concatenate3A_58, %concatenate3A_58, %concatenate3A_58, %concatenate3A_58, %concatenate3A_58, %concatenate3A_58, %concatenate3A_58, %concatenate3A_58 in 0 : vector<2x128xf32>, vector<2x128xf32>, vector<2x128xf32>, vector<2x128xf32>, vector<2x128xf32>, vector<2x128xf32>, vector<2x128xf32>, vector<2x128xf32> -> vector<16x128xf32>
    %iota3A_62 = tpu.iota {dimensions = array<i32: 0>} : vector<16x128xi32>
    %jit3A = arith.constant 2 : i32
    %div3A_63 = vector.broadcast %jit3A : i32 to vector<16x128xi32>
    %div3A_64 = arith.divsi %iota3A_62, %div3A_63 : vector<16x128xi32>
    %sign3A = arith.constant 0 : i32
    %sign3A_65 = vector.broadcast %sign3A : i32 to vector<16x128xi32>
    %sign3A_66 = arith.cmpi sgt, %iota3A_62, %sign3A_65 : vector<16x128xi32>
    %sign3A_67 = arith.extui %sign3A_66 : vector<16x128xi1> to vector<16x128xi32>
    %sign3A_68 = arith.constant 0 : i32
    %sign3A_69 = vector.broadcast %sign3A_68 : i32 to vector<16x128xi32>
    %sign3A_70 = arith.cmpi slt, %iota3A_62, %sign3A_69 : vector<16x128xi32>
    %sign3A_71 = arith.extui %sign3A_70 : vector<16x128xi1> to vector<16x128xi32>
    %sign3A_72 = arith.subi %sign3A_67, %sign3A_71 : vector<16x128xi32>
    %sign3A_73 = arith.constant 0 : i32
    %sign3A_74 = arith.cmpi sgt, %jit3A, %sign3A_73 : i32
    %sign3A_75 = arith.extui %sign3A_74 : i1 to i32
    %sign3A_76 = arith.constant 0 : i32
    %sign3A_77 = arith.cmpi slt, %jit3A, %sign3A_76 : i32
    %sign3A_78 = arith.extui %sign3A_77 : i1 to i32
    %sign3A_79 = arith.subi %sign3A_75, %sign3A_78 : i32
    %ne3A = vector.broadcast %sign3A_79 : i32 to vector<16x128xi32>
    %ne3A_80 = arith.cmpi ne, %sign3A_72, %ne3A : vector<16x128xi32>
    %rem3A = vector.broadcast %jit3A : i32 to vector<16x128xi32>
    %rem3A_81 = arith.remsi %iota3A_62, %rem3A : vector<16x128xi32>
    %ne3A_82 = arith.constant 0 : i32
    %ne3A_83 = vector.broadcast %ne3A_82 : i32 to vector<16x128xi32>
    %ne3A_84 = arith.cmpi ne, %rem3A_81, %ne3A_83 : vector<16x128xi32>
    %and3A = arith.andi %ne3A_80, %ne3A_84 : vector<16x128xi1>
    %sub3A_85 = arith.constant 1 : i32
    %sub3A_86 = vector.broadcast %sub3A_85 : i32 to vector<16x128xi32>
    %sub3A_87 = arith.subi %div3A_64, %sub3A_86 : vector<16x128xi32>
    %select_n3A = arith.select %and3A, %sub3A_87, %div3A_64 : vector<16x128xi1>, vector<16x128xi32>
    %eq3A_88 = vector.broadcast %arg0 : i32 to vector<16x128xi32>
    %eq3A_89 = arith.cmpi eq, %select_n3A, %eq3A_88 : vector<16x128xi32>
    %get3A_90 = arith.constant 0 : index
    %get3A_91 = arith.constant 0 : index
    %get3A_92 = vector.load %arg6[%get3A_90, %get3A_91] : memref<16x128xi32, #tpu.memory_space<vmem>>, vector<16x128xi32>
    %select_n3A_93 = arith.select %eq3A_89, %convert_element_type3A_60, %get3A_92 : vector<16x128xi1>, vector<16x128xi32>
    %swap3A_94 = arith.constant 0 : index
    %swap3A_95 = arith.constant 0 : index
    %swap3A_96 = vector.load %arg6[%swap3A_94, %swap3A_95] : memref<16x128xi32, #tpu.memory_space<vmem>>, vector<16x128xi32>
    tpu.vector_store %arg6[%swap3A_94, %swap3A_95], %select_n3A_93 {strides = array<i32>} : memref<16x128xi32, #tpu.memory_space<vmem>>, vector<16x128xi32>,
    %eq3A_97 = vector.broadcast %arg0 : i32 to vector<16x128xi32>
    %eq3A_98 = arith.cmpi eq, %select_n3A, %eq3A_97 : vector<16x128xi32>
    %get3A_99 = arith.constant 0 : index
    %get3A_100 = arith.constant 0 : index
    %get3A_101 = vector.load %arg7[%get3A_99, %get3A_100] : memref<16x128xf32, #tpu.memory_space<vmem>>, vector<16x128xf32>
    %select_n3A_102 = arith.select %eq3A_98, %concatenate3A_61, %get3A_101 : vector<16x128xi1>, vector<16x128xf32>
    %swap3A_103 = arith.constant 0 : index
    %swap3A_104 = arith.constant 0 : index
    %swap3A_105 = vector.load %arg7[%swap3A_103, %swap3A_104] : memref<16x128xf32, #tpu.memory_space<vmem>>, vector<16x128xf32>
    tpu.vector_store %arg7[%swap3A_103, %swap3A_104], %select_n3A_102 {strides = array<i32>} : memref<16x128xf32, #tpu.memory_space<vmem>>, vector<16x128xf32>,
    %eq3A_106 = arith.constant 7 : i32
    %eq3A_107 = arith.cmpi eq, %arg0, %eq3A_106 : i32
    %convert_element_type3A_108 = arith.extui %eq3A_107 : i1 to i32
    %cond3A_109 = arith.constant 0 : i32
    %cond3A_110 = arith.cmpi ne, %convert_element_type3A_108, %cond3A_109 : i32
    scf.if %cond3A_110 {
      %get3A_111 = arith.constant 0 : index
      %get3A_112 = arith.constant 0 : index
      %get3A_113 = vector.load %arg8[%get3A_111, %get3A_112] : memref<8x128xf32, #tpu.memory_space<vmem>>, vector<8x1xf32>
      %add3A_114 = arith.constant 6.300000e+01 : f32
      %add3A_115 = vector.broadcast %add3A_114 : f32 to vector<8x1xf32>
      %add3A_116 = arith.addf %get3A_113, %add3A_115 : vector<8x1xf32>
      %jit3A_117 = arith.constant 64 : i32
      %convert_element_type3A_118 = arith.sitofp %jit3A_117 : i32 to f32
      %rem3A_119 = vector.broadcast %convert_element_type3A_118 : f32 to vector<8x1xf32>
      %rem3A_120 = arith.remf %add3A_116, %rem3A_119 : vector<8x1xf32>
      %eq3A_121 = arith.constant 0.000000e+00 : f32
      %eq3A_122 = arith.cmpf oeq, %convert_element_type3A_118, %eq3A_121 : f32
      %sub3A_123 = arith.subf %add3A_116, %rem3A_120 : vector<8x1xf32>
      %select_n3A_124 = arith.select %eq3A_122, %add3A_116, %sub3A_123 : vector<8x1xf32>
      %div3A_125 = vector.broadcast %convert_element_type3A_118 : f32 to vector<8x1xf32>
      %div3A_126 = arith.divf %select_n3A_124, %div3A_125 : vector<8x1xf32>
      %ne3A_127 = arith.constant 0.000000e+00 : f32
      %ne3A_128 = vector.broadcast %ne3A_127 : f32 to vector<8x1xf32>
      %ne3A_129 = arith.cmpf one, %rem3A_120, %ne3A_128 : vector<8x1xf32>
      %sign3A_130 = arith.bitcast %convert_element_type3A_118 : f32 to i32
      %sign3A_131 = arith.constant -2147483648 : i32
      %sign3A_132 = arith.andi %sign3A_130, %sign3A_131 : i32
      %sign3A_133 = arith.constant 1065353216 : i32
      %sign3A_134 = arith.ori %sign3A_133, %sign3A_132 : i32
      %sign3A_135 = arith.bitcast %sign3A_134 : i32 to f32
      %sign3A_136 = math.absf %convert_element_type3A_118 : f32
      %sign3A_137 = arith.constant 0.000000e+00 : f32
      %sign3A_138 = arith.cmpf ogt, %sign3A_136, %sign3A_137 : f32
      %sign3A_139 = arith.select %sign3A_138, %sign3A_135, %convert_element_type3A_118 : f32
      %sign3A_140 = tpu.bitcast %rem3A_120 : vector<8x1xf32> -> vector<8x1xi32>
      %sign3A_141 = arith.constant -2147483648 : i32
      %sign3A_142 = vector.broadcast %sign3A_141 : i32 to vector<8x1xi32>
      %sign3A_143 = arith.andi %sign3A_140, %sign3A_142 : vector<8x1xi32>
      %sign3A_144 = arith.constant 1065353216 : i32
      %sign3A_145 = vector.broadcast %sign3A_144 : i32 to vector<8x1xi32>
      %sign3A_146 = arith.ori %sign3A_145, %sign3A_143 : vector<8x1xi32>
      %sign3A_147 = tpu.bitcast %sign3A_146 : vector<8x1xi32> -> vector<8x1xf32>
      %sign3A_148 = math.absf %rem3A_120 : vector<8x1xf32>
      %sign3A_149 = arith.constant 0.000000e+00 : f32
      %sign3A_150 = vector.broadcast %sign3A_149 : f32 to vector<8x1xf32>
      %sign3A_151 = arith.cmpf ogt, %sign3A_148, %sign3A_150 : vector<8x1xf32>
      %sign3A_152 = arith.select %sign3A_151, %sign3A_147, %rem3A_120 : vector<8x1xi1>, vector<8x1xf32>
      %ne3A_153 = vector.broadcast %sign3A_139 : f32 to vector<8x1xf32>
      %ne3A_154 = arith.cmpf one, %ne3A_153, %sign3A_152 : vector<8x1xf32>
      %and3A_155 = arith.andi %ne3A_129, %ne3A_154 : vector<8x1xi1>
      %sub3A_156 = arith.constant 1.000000e+00 : f32
      %sub3A_157 = vector.broadcast %sub3A_156 : f32 to vector<8x1xf32>
      %sub3A_158 = arith.subf %div3A_126, %sub3A_157 : vector<8x1xf32>
      %select_n3A_159 = arith.select %and3A_155, %sub3A_158, %div3A_126 : vector<8x1xi1>, vector<8x1xf32>
      %round3A = math.round %select_n3A_159 : vector<8x1xf32>
      %mul3A_160 = arith.constant 6.400000e+01 : f32
      %mul3A_161 = vector.broadcast %mul3A_160 : f32 to vector<8x1xf32>
      %mul3A_162 = arith.mulf %round3A, %mul3A_161 : vector<8x1xf32>
      %iota3A_163 = tpu.iota {dimensions = array<i32: 0>} : vector<8x8xi32>
      %iota3A_164 = tpu.iota {dimensions = array<i32: 1>} : vector<8x8xi32>
      %gt3A = arith.cmpi sgt, %iota3A_163, %iota3A_164 : vector<8x8xi32>
      %convert_element_type3A_165 = arith.extui %gt3A : vector<8x8xi1> to vector<8x8xi32>
      %convert_element_type3A_166 = arith.sitofp %convert_element_type3A_165 : vector<8x8xi32> to vector<8x8xf32>
      %dot_general3A_167 = arith.constant dense<0.000000e+00> : vector<8x1xf32>
      %dot_general3A_168 = tpu.matmul %convert_element_type3A_166, %mul3A_162, %dot_general3A_167 {dimension_numbers = #tpu.dot_dimension_numbers<[1], [0], [0], [1], [0, 0, 1, 1], [], []>, transpose_lhs_hint = false} : vector<8x8xf32>, vector<8x1xf32>, vector<8x1xf32> -> vector<8x1xf32>
      %add3A_169 = arith.addf %dot_general3A_168, %mul3A_162 : vector<8x1xf32>
      %iota3A_170 = tpu.iota {dimensions = array<i32: 0>} : vector<8x1xi32>
      %get3A_171 = arith.constant 0 : index
      %get3A_172 = arith.constant 0 : index
      %get3A_173 = vector.load %arg6[%get3A_171, %get3A_172] : memref<16x128xi32, #tpu.memory_space<vmem>>, vector<16x128xi32>
      %get3A_174 = arith.constant 0 : index
      %get3A_175 = arith.constant 0 : index
      %get3A_176 = vector.load %arg7[%get3A_174, %get3A_175] : memref<16x128xf32, #tpu.memory_space<vmem>>, vector<16x128xf32>
      %eq3A_177 = arith.constant 0 : i32
      %eq3A_178 = vector.broadcast %eq3A_177 : i32 to vector<8x1xi32>
      %eq3A_179 = arith.cmpi eq, %iota3A_170, %eq3A_178 : vector<8x1xi32>
      %jit3A_180 = arith.constant 0.000000e+00 : f32
      %broadcast_in_dim3A_181 = vector.broadcast %jit3A_180 : f32 to vector<8x1xf32>
      %select_n3A_182 = arith.select %eq3A_179, %dot_general3A_168, %broadcast_in_dim3A_181 : vector<8x1xi1>, vector<8x1xf32>
      %reduce_sum3A_183 = vector.shape_cast %select_n3A_182 : vector<8x1xf32> to vector<1x8x1xf32>
      %reduce_sum3A_184 = arith.constant dense<0.000000e+00> : vector<1xf32>
      %reduce_sum3A_185 = vector.multi_reduction <add>, %reduce_sum3A_183, %reduce_sum3A_184 [1, 2] : vector<1x8x1xf32> to vector<1xf32>
      %reduce_sum3A_186 = vector.shape_cast %reduce_sum3A_185 : vector<1xf32> to vector<1x1x1xf32>
      %reduce_sum3A_187 = vector.extract %reduce_sum3A_186[0, 0, 0] : f32 from vector<1x1x1xf32>
      %eq3A_188 = arith.constant 0 : i32
      %eq3A_189 = vector.broadcast %eq3A_188 : i32 to vector<16x128xi32>
      %eq3A_190 = arith.cmpi eq, %get3A_173, %eq3A_189 : vector<16x128xi32>
      %jit3A_191 = arith.constant 0.000000e+00 : f32
      %broadcast_in_dim3A_192 = vector.broadcast %reduce_sum3A_187 : f32 to vector<16x128xf32>
      %broadcast_in_dim3A_193 = vector.broadcast %jit3A_191 : f32 to vector<16x128xf32>
      %select_n3A_194 = arith.select %eq3A_190, %broadcast_in_dim3A_192, %broadcast_in_dim3A_193 : vector<16x128xi1>, vector<16x128xf32>
      %add3A_195 = arith.addf %get3A_176, %select_n3A_194 : vector<16x128xf32>
      %eq3A_196 = arith.constant 1 : i32
      %eq3A_197 = vector.broadcast %eq3A_196 : i32 to vector<8x1xi32>
      %eq3A_198 = arith.cmpi eq, %iota3A_170, %eq3A_197 : vector<8x1xi32>
      %jit3A_199 = arith.constant 0.000000e+00 : f32
      %broadcast_in_dim3A_200 = vector.broadcast %jit3A_199 : f32 to vector<8x1xf32>
      %select_n3A_201 = arith.select %eq3A_198, %dot_general3A_168, %broadcast_in_dim3A_200 : vector<8x1xi1>, vector<8x1xf32>
      %reduce_sum3A_202 = vector.shape_cast %select_n3A_201 : vector<8x1xf32> to vector<1x8x1xf32>
      %reduce_sum3A_203 = arith.constant dense<0.000000e+00> : vector<1xf32>
      %reduce_sum3A_204 = vector.multi_reduction <add>, %reduce_sum3A_202, %reduce_sum3A_203 [1, 2] : vector<1x8x1xf32> to vector<1xf32>
      %reduce_sum3A_205 = vector.shape_cast %reduce_sum3A_204 : vector<1xf32> to vector<1x1x1xf32>
      %reduce_sum3A_206 = vector.extract %reduce_sum3A_205[0, 0, 0] : f32 from vector<1x1x1xf32>
      %eq3A_207 = arith.constant 1 : i32
      %eq3A_208 = vector.broadcast %eq3A_207 : i32 to vector<16x128xi32>
      %eq3A_209 = arith.cmpi eq, %get3A_173, %eq3A_208 : vector<16x128xi32>
      %jit3A_210 = arith.constant 0.000000e+00 : f32
      %broadcast_in_dim3A_211 = vector.broadcast %reduce_sum3A_206 : f32 to vector<16x128xf32>
      %broadcast_in_dim3A_212 = vector.broadcast %jit3A_210 : f32 to vector<16x128xf32>
      %select_n3A_213 = arith.select %eq3A_209, %broadcast_in_dim3A_211, %broadcast_in_dim3A_212 : vector<16x128xi1>, vector<16x128xf32>
      %add3A_214 = arith.addf %add3A_195, %select_n3A_213 : vector<16x128xf32>
      %eq3A_215 = arith.constant 2 : i32
      %eq3A_216 = vector.broadcast %eq3A_215 : i32 to vector<8x1xi32>
      %eq3A_217 = arith.cmpi eq, %iota3A_170, %eq3A_216 : vector<8x1xi32>
      %jit3A_218 = arith.constant 0.000000e+00 : f32
      %broadcast_in_dim3A_219 = vector.broadcast %jit3A_218 : f32 to vector<8x1xf32>
      %select_n3A_220 = arith.select %eq3A_217, %dot_general3A_168, %broadcast_in_dim3A_219 : vector<8x1xi1>, vector<8x1xf32>
      %reduce_sum3A_221 = vector.shape_cast %select_n3A_220 : vector<8x1xf32> to vector<1x8x1xf32>
      %reduce_sum3A_222 = arith.constant dense<0.000000e+00> : vector<1xf32>
      %reduce_sum3A_223 = vector.multi_reduction <add>, %reduce_sum3A_221, %reduce_sum3A_222 [1, 2] : vector<1x8x1xf32> to vector<1xf32>
      %reduce_sum3A_224 = vector.shape_cast %reduce_sum3A_223 : vector<1xf32> to vector<1x1x1xf32>
      %reduce_sum3A_225 = vector.extract %reduce_sum3A_224[0, 0, 0] : f32 from vector<1x1x1xf32>
      %eq3A_226 = arith.constant 2 : i32
      %eq3A_227 = vector.broadcast %eq3A_226 : i32 to vector<16x128xi32>
      %eq3A_228 = arith.cmpi eq, %get3A_173, %eq3A_227 : vector<16x128xi32>
      %jit3A_229 = arith.constant 0.000000e+00 : f32
      %broadcast_in_dim3A_230 = vector.broadcast %reduce_sum3A_225 : f32 to vector<16x128xf32>
      %broadcast_in_dim3A_231 = vector.broadcast %jit3A_229 : f32 to vector<16x128xf32>
      %select_n3A_232 = arith.select %eq3A_228, %broadcast_in_dim3A_230, %broadcast_in_dim3A_231 : vector<16x128xi1>, vector<16x128xf32>
      %add3A_233 = arith.addf %add3A_214, %select_n3A_232 : vector<16x128xf32>
      %eq3A_234 = arith.constant 3 : i32
      %eq3A_235 = vector.broadcast %eq3A_234 : i32 to vector<8x1xi32>
      %eq3A_236 = arith.cmpi eq, %iota3A_170, %eq3A_235 : vector<8x1xi32>
      %jit3A_237 = arith.constant 0.000000e+00 : f32
      %broadcast_in_dim3A_238 = vector.broadcast %jit3A_237 : f32 to vector<8x1xf32>
      %select_n3A_239 = arith.select %eq3A_236, %dot_general3A_168, %broadcast_in_dim3A_238 : vector<8x1xi1>, vector<8x1xf32>
      %reduce_sum3A_240 = vector.shape_cast %select_n3A_239 : vector<8x1xf32> to vector<1x8x1xf32>
      %reduce_sum3A_241 = arith.constant dense<0.000000e+00> : vector<1xf32>
      %reduce_sum3A_242 = vector.multi_reduction <add>, %reduce_sum3A_240, %reduce_sum3A_241 [1, 2] : vector<1x8x1xf32> to vector<1xf32>
      %reduce_sum3A_243 = vector.shape_cast %reduce_sum3A_242 : vector<1xf32> to vector<1x1x1xf32>
      %reduce_sum3A_244 = vector.extract %reduce_sum3A_243[0, 0, 0] : f32 from vector<1x1x1xf32>
      %eq3A_245 = arith.constant 3 : i32
      %eq3A_246 = vector.broadcast %eq3A_245 : i32 to vector<16x128xi32>
      %eq3A_247 = arith.cmpi eq, %get3A_173, %eq3A_246 : vector<16x128xi32>
      %jit3A_248 = arith.constant 0.000000e+00 : f32
      %broadcast_in_dim3A_249 = vector.broadcast %reduce_sum3A_244 : f32 to vector<16x128xf32>
      %broadcast_in_dim3A_250 = vector.broadcast %jit3A_248 : f32 to vector<16x128xf32>
      %select_n3A_251 = arith.select %eq3A_247, %broadcast_in_dim3A_249, %broadcast_in_dim3A_250 : vector<16x128xi1>, vector<16x128xf32>
      %add3A_252 = arith.addf %add3A_233, %select_n3A_251 : vector<16x128xf32>
      %eq3A_253 = arith.constant 4 : i32
      %eq3A_254 = vector.broadcast %eq3A_253 : i32 to vector<8x1xi32>
      %eq3A_255 = arith.cmpi eq, %iota3A_170, %eq3A_254 : vector<8x1xi32>
      %jit3A_256 = arith.constant 0.000000e+00 : f32
      %broadcast_in_dim3A_257 = vector.broadcast %jit3A_256 : f32 to vector<8x1xf32>
      %select_n3A_258 = arith.select %eq3A_255, %dot_general3A_168, %broadcast_in_dim3A_257 : vector<8x1xi1>, vector<8x1xf32>
      %reduce_sum3A_259 = vector.shape_cast %select_n3A_258 : vector<8x1xf32> to vector<1x8x1xf32>
      %reduce_sum3A_260 = arith.constant dense<0.000000e+00> : vector<1xf32>
      %reduce_sum3A_261 = vector.multi_reduction <add>, %reduce_sum3A_259, %reduce_sum3A_260 [1, 2] : vector<1x8x1xf32> to vector<1xf32>
      %reduce_sum3A_262 = vector.shape_cast %reduce_sum3A_261 : vector<1xf32> to vector<1x1x1xf32>
      %reduce_sum3A_263 = vector.extract %reduce_sum3A_262[0, 0, 0] : f32 from vector<1x1x1xf32>
      %eq3A_264 = arith.constant 4 : i32
      %eq3A_265 = vector.broadcast %eq3A_264 : i32 to vector<16x128xi32>
      %eq3A_266 = arith.cmpi eq, %get3A_173, %eq3A_265 : vector<16x128xi32>
      %jit3A_267 = arith.constant 0.000000e+00 : f32
      %broadcast_in_dim3A_268 = vector.broadcast %reduce_sum3A_263 : f32 to vector<16x128xf32>
      %broadcast_in_dim3A_269 = vector.broadcast %jit3A_267 : f32 to vector<16x128xf32>
      %select_n3A_270 = arith.select %eq3A_266, %broadcast_in_dim3A_268, %broadcast_in_dim3A_269 : vector<16x128xi1>, vector<16x128xf32>
      %add3A_271 = arith.addf %add3A_252, %select_n3A_270 : vector<16x128xf32>
      %eq3A_272 = arith.constant 5 : i32
      %eq3A_273 = vector.broadcast %eq3A_272 : i32 to vector<8x1xi32>
      %eq3A_274 = arith.cmpi eq, %iota3A_170, %eq3A_273 : vector<8x1xi32>
      %jit3A_275 = arith.constant 0.000000e+00 : f32
      %broadcast_in_dim3A_276 = vector.broadcast %jit3A_275 : f32 to vector<8x1xf32>
      %select_n3A_277 = arith.select %eq3A_274, %dot_general3A_168, %broadcast_in_dim3A_276 : vector<8x1xi1>, vector<8x1xf32>
      %reduce_sum3A_278 = vector.shape_cast %select_n3A_277 : vector<8x1xf32> to vector<1x8x1xf32>
      %reduce_sum3A_279 = arith.constant dense<0.000000e+00> : vector<1xf32>
      %reduce_sum3A_280 = vector.multi_reduction <add>, %reduce_sum3A_278, %reduce_sum3A_279 [1, 2] : vector<1x8x1xf32> to vector<1xf32>
      %reduce_sum3A_281 = vector.shape_cast %reduce_sum3A_280 : vector<1xf32> to vector<1x1x1xf32>
      %reduce_sum3A_282 = vector.extract %reduce_sum3A_281[0, 0, 0] : f32 from vector<1x1x1xf32>
      %eq3A_283 = arith.constant 5 : i32
      %eq3A_284 = vector.broadcast %eq3A_283 : i32 to vector<16x128xi32>
      %eq3A_285 = arith.cmpi eq, %get3A_173, %eq3A_284 : vector<16x128xi32>
      %jit3A_286 = arith.constant 0.000000e+00 : f32
      %broadcast_in_dim3A_287 = vector.broadcast %reduce_sum3A_282 : f32 to vector<16x128xf32>
      %broadcast_in_dim3A_288 = vector.broadcast %jit3A_286 : f32 to vector<16x128xf32>
      %select_n3A_289 = arith.select %eq3A_285, %broadcast_in_dim3A_287, %broadcast_in_dim3A_288 : vector<16x128xi1>, vector<16x128xf32>
      %add3A_290 = arith.addf %add3A_271, %select_n3A_289 : vector<16x128xf32>
      %eq3A_291 = arith.constant 6 : i32
      %eq3A_292 = vector.broadcast %eq3A_291 : i32 to vector<8x1xi32>
      %eq3A_293 = arith.cmpi eq, %iota3A_170, %eq3A_292 : vector<8x1xi32>
      %jit3A_294 = arith.constant 0.000000e+00 : f32
      %broadcast_in_dim3A_295 = vector.broadcast %jit3A_294 : f32 to vector<8x1xf32>
      %select_n3A_296 = arith.select %eq3A_293, %dot_general3A_168, %broadcast_in_dim3A_295 : vector<8x1xi1>, vector<8x1xf32>
      %reduce_sum3A_297 = vector.shape_cast %select_n3A_296 : vector<8x1xf32> to vector<1x8x1xf32>
      %reduce_sum3A_298 = arith.constant dense<0.000000e+00> : vector<1xf32>
      %reduce_sum3A_299 = vector.multi_reduction <add>, %reduce_sum3A_297, %reduce_sum3A_298 [1, 2] : vector<1x8x1xf32> to vector<1xf32>
      %reduce_sum3A_300 = vector.shape_cast %reduce_sum3A_299 : vector<1xf32> to vector<1x1x1xf32>
      %reduce_sum3A_301 = vector.extract %reduce_sum3A_300[0, 0, 0] : f32 from vector<1x1x1xf32>
      %eq3A_302 = arith.constant 6 : i32
      %eq3A_303 = vector.broadcast %eq3A_302 : i32 to vector<16x128xi32>
      %eq3A_304 = arith.cmpi eq, %get3A_173, %eq3A_303 : vector<16x128xi32>
      %jit3A_305 = arith.constant 0.000000e+00 : f32
      %broadcast_in_dim3A_306 = vector.broadcast %reduce_sum3A_301 : f32 to vector<16x128xf32>
      %broadcast_in_dim3A_307 = vector.broadcast %jit3A_305 : f32 to vector<16x128xf32>
      %select_n3A_308 = arith.select %eq3A_304, %broadcast_in_dim3A_306, %broadcast_in_dim3A_307 : vector<16x128xi1>, vector<16x128xf32>
      %add3A_309 = arith.addf %add3A_290, %select_n3A_308 : vector<16x128xf32>
      %eq3A_310 = arith.constant 7 : i32
      %eq3A_311 = vector.broadcast %eq3A_310 : i32 to vector<8x1xi32>
      %eq3A_312 = arith.cmpi eq, %iota3A_170, %eq3A_311 : vector<8x1xi32>
      %jit3A_313 = arith.constant 0.000000e+00 : f32
      %broadcast_in_dim3A_314 = vector.broadcast %jit3A_313 : f32 to vector<8x1xf32>
      %select_n3A_315 = arith.select %eq3A_312, %dot_general3A_168, %broadcast_in_dim3A_314 : vector<8x1xi1>, vector<8x1xf32>
      %reduce_sum3A_316 = vector.shape_cast %select_n3A_315 : vector<8x1xf32> to vector<1x8x1xf32>
      %reduce_sum3A_317 = arith.constant dense<0.000000e+00> : vector<1xf32>
      %reduce_sum3A_318 = vector.multi_reduction <add>, %reduce_sum3A_316, %reduce_sum3A_317 [1, 2] : vector<1x8x1xf32> to vector<1xf32>
      %reduce_sum3A_319 = vector.shape_cast %reduce_sum3A_318 : vector<1xf32> to vector<1x1x1xf32>
      %reduce_sum3A_320 = vector.extract %reduce_sum3A_319[0, 0, 0] : f32 from vector<1x1x1xf32>
      %eq3A_321 = arith.constant 7 : i32
      %eq3A_322 = vector.broadcast %eq3A_321 : i32 to vector<16x128xi32>
      %eq3A_323 = arith.cmpi eq, %get3A_173, %eq3A_322 : vector<16x128xi32>
      %jit3A_324 = arith.constant 0.000000e+00 : f32
      %broadcast_in_dim3A_325 = vector.broadcast %reduce_sum3A_320 : f32 to vector<16x128xf32>
      %broadcast_in_dim3A_326 = vector.broadcast %jit3A_324 : f32 to vector<16x128xf32>
      %select_n3A_327 = arith.select %eq3A_323, %broadcast_in_dim3A_325, %broadcast_in_dim3A_326 : vector<16x128xi1>, vector<16x128xf32>
      %add3A_328 = arith.addf %add3A_309, %select_n3A_327 : vector<16x128xf32>
      %convert_element_type3A_329 = arith.fptosi %add3A_328 : vector<16x128xf32> to vector<16x128xi32>
      %swap3A_330 = arith.constant 0 : index
      %swap3A_331 = arith.constant 0 : index
      %swap3A_332 = vector.load %arg4[%swap3A_330, %swap3A_331] : memref<16x128xi32, #tpu.memory_space<vmem>>, vector<16x128xi32>
      tpu.vector_store %arg4[%swap3A_330, %swap3A_331], %convert_element_type3A_329 {strides = array<i32>} : memref<16x128xi32, #tpu.memory_space<vmem>>, vector<16x128xi32>,
      %iota3A_333 = tpu.iota {dimensions = array<i32: 1>} : vector<1x128xi32>
      %mul3A_334 = arith.constant 64 : i32
      %mul3A_335 = vector.broadcast %mul3A_334 : i32 to vector<1x128xi32>
      %mul3A_336 = arith.muli %iota3A_333, %mul3A_335 : vector<1x128xi32>
      %broadcast_in_dim3A_337 = arith.constant 0 : i32
      %broadcast_in_dim3A_338 = vector.broadcast %broadcast_in_dim3A_337 : i32 to vector<1x128xi32>
      %eq3A_339 = arith.constant 0 : i32
      %eq3A_340 = vector.broadcast %eq3A_339 : i32 to vector<8x1xi32>
      %eq3A_341 = arith.cmpi eq, %iota3A_170, %eq3A_340 : vector<8x1xi32>
      %jit3A_342 = arith.constant 0.000000e+00 : f32
      %broadcast_in_dim3A_343 = vector.broadcast %jit3A_342 : f32 to vector<8x1xf32>
      %select_n3A_344 = arith.select %eq3A_341, %add3A_169, %broadcast_in_dim3A_343 : vector<8x1xi1>, vector<8x1xf32>
      %reduce_sum3A_345 = vector.shape_cast %select_n3A_344 : vector<8x1xf32> to vector<1x8x1xf32>
      %reduce_sum3A_346 = arith.constant dense<0.000000e+00> : vector<1xf32>
      %reduce_sum3A_347 = vector.multi_reduction <add>, %reduce_sum3A_345, %reduce_sum3A_346 [1, 2] : vector<1x8x1xf32> to vector<1xf32>
      %reduce_sum3A_348 = vector.shape_cast %reduce_sum3A_347 : vector<1xf32> to vector<1x1x1xf32>
      %reduce_sum3A_349 = vector.extract %reduce_sum3A_348[0, 0, 0] : f32 from vector<1x1x1xf32>
      %convert_element_type3A_350 = arith.fptosi %reduce_sum3A_349 : f32 to i32
      %ge3A = vector.broadcast %convert_element_type3A_350 : i32 to vector<1x128xi32>
      %ge3A_351 = arith.cmpi sge, %mul3A_336, %ge3A : vector<1x128xi32>
      %convert_element_type3A_352 = arith.extui %ge3A_351 : vector<1x128xi1> to vector<1x128xi32>
      %add3A_353 = arith.addi %broadcast_in_dim3A_338, %convert_element_type3A_352 : vector<1x128xi32>
      %eq3A_354 = arith.constant 1 : i32
      %eq3A_355 = vector.broadcast %eq3A_354 : i32 to vector<8x1xi32>
      %eq3A_356 = arith.cmpi eq, %iota3A_170, %eq3A_355 : vector<8x1xi32>
      %jit3A_357 = arith.constant 0.000000e+00 : f32
      %broadcast_in_dim3A_358 = vector.broadcast %jit3A_357 : f32 to vector<8x1xf32>
      %select_n3A_359 = arith.select %eq3A_356, %add3A_169, %broadcast_in_dim3A_358 : vector<8x1xi1>, vector<8x1xf32>
      %reduce_sum3A_360 = vector.shape_cast %select_n3A_359 : vector<8x1xf32> to vector<1x8x1xf32>
      %reduce_sum3A_361 = arith.constant dense<0.000000e+00> : vector<1xf32>
      %reduce_sum3A_362 = vector.multi_reduction <add>, %reduce_sum3A_360, %reduce_sum3A_361 [1, 2] : vector<1x8x1xf32> to vector<1xf32>
      %reduce_sum3A_363 = vector.shape_cast %reduce_sum3A_362 : vector<1xf32> to vector<1x1x1xf32>
      %reduce_sum3A_364 = vector.extract %reduce_sum3A_363[0, 0, 0] : f32 from vector<1x1x1xf32>
      %convert_element_type3A_365 = arith.fptosi %reduce_sum3A_364 : f32 to i32
      %ge3A_366 = vector.broadcast %convert_element_type3A_365 : i32 to vector<1x128xi32>
      %ge3A_367 = arith.cmpi sge, %mul3A_336, %ge3A_366 : vector<1x128xi32>
      %convert_element_type3A_368 = arith.extui %ge3A_367 : vector<1x128xi1> to vector<1x128xi32>
      %add3A_369 = arith.addi %add3A_353, %convert_element_type3A_368 : vector<1x128xi32>
      %eq3A_370 = arith.constant 2 : i32
      %eq3A_371 = vector.broadcast %eq3A_370 : i32 to vector<8x1xi32>
      %eq3A_372 = arith.cmpi eq, %iota3A_170, %eq3A_371 : vector<8x1xi32>
      %jit3A_373 = arith.constant 0.000000e+00 : f32
      %broadcast_in_dim3A_374 = vector.broadcast %jit3A_373 : f32 to vector<8x1xf32>
      %select_n3A_375 = arith.select %eq3A_372, %add3A_169, %broadcast_in_dim3A_374 : vector<8x1xi1>, vector<8x1xf32>
      %reduce_sum3A_376 = vector.shape_cast %select_n3A_375 : vector<8x1xf32> to vector<1x8x1xf32>
      %reduce_sum3A_377 = arith.constant dense<0.000000e+00> : vector<1xf32>
      %reduce_sum3A_378 = vector.multi_reduction <add>, %reduce_sum3A_376, %reduce_sum3A_377 [1, 2] : vector<1x8x1xf32> to vector<1xf32>
      %reduce_sum3A_379 = vector.shape_cast %reduce_sum3A_378 : vector<1xf32> to vector<1x1x1xf32>
      %reduce_sum3A_380 = vector.extract %reduce_sum3A_379[0, 0, 0] : f32 from vector<1x1x1xf32>
      %convert_element_type3A_381 = arith.fptosi %reduce_sum3A_380 : f32 to i32
      %ge3A_382 = vector.broadcast %convert_element_type3A_381 : i32 to vector<1x128xi32>
      %ge3A_383 = arith.cmpi sge, %mul3A_336, %ge3A_382 : vector<1x128xi32>
      %convert_element_type3A_384 = arith.extui %ge3A_383 : vector<1x128xi1> to vector<1x128xi32>
      %add3A_385 = arith.addi %add3A_369, %convert_element_type3A_384 : vector<1x128xi32>
      %eq3A_386 = arith.constant 3 : i32
      %eq3A_387 = vector.broadcast %eq3A_386 : i32 to vector<8x1xi32>
      %eq3A_388 = arith.cmpi eq, %iota3A_170, %eq3A_387 : vector<8x1xi32>
      %jit3A_389 = arith.constant 0.000000e+00 : f32
      %broadcast_in_dim3A_390 = vector.broadcast %jit3A_389 : f32 to vector<8x1xf32>
      %select_n3A_391 = arith.select %eq3A_388, %add3A_169, %broadcast_in_dim3A_390 : vector<8x1xi1>, vector<8x1xf32>
      %reduce_sum3A_392 = vector.shape_cast %select_n3A_391 : vector<8x1xf32> to vector<1x8x1xf32>
      %reduce_sum3A_393 = arith.constant dense<0.000000e+00> : vector<1xf32>
      %reduce_sum3A_394 = vector.multi_reduction <add>, %reduce_sum3A_392, %reduce_sum3A_393 [1, 2] : vector<1x8x1xf32> to vector<1xf32>
      %reduce_sum3A_395 = vector.shape_cast %reduce_sum3A_394 : vector<1xf32> to vector<1x1x1xf32>
      %reduce_sum3A_396 = vector.extract %reduce_sum3A_395[0, 0, 0] : f32 from vector<1x1x1xf32>
      %convert_element_type3A_397 = arith.fptosi %reduce_sum3A_396 : f32 to i32
      %ge3A_398 = vector.broadcast %convert_element_type3A_397 : i32 to vector<1x128xi32>
      %ge3A_399 = arith.cmpi sge, %mul3A_336, %ge3A_398 : vector<1x128xi32>
      %convert_element_type3A_400 = arith.extui %ge3A_399 : vector<1x128xi1> to vector<1x128xi32>
      %add3A_401 = arith.addi %add3A_385, %convert_element_type3A_400 : vector<1x128xi32>
      %eq3A_402 = arith.constant 4 : i32
      %eq3A_403 = vector.broadcast %eq3A_402 : i32 to vector<8x1xi32>
      %eq3A_404 = arith.cmpi eq, %iota3A_170, %eq3A_403 : vector<8x1xi32>
      %jit3A_405 = arith.constant 0.000000e+00 : f32
      %broadcast_in_dim3A_406 = vector.broadcast %jit3A_405 : f32 to vector<8x1xf32>
      %select_n3A_407 = arith.select %eq3A_404, %add3A_169, %broadcast_in_dim3A_406 : vector<8x1xi1>, vector<8x1xf32>
      %reduce_sum3A_408 = vector.shape_cast %select_n3A_407 : vector<8x1xf32> to vector<1x8x1xf32>
      %reduce_sum3A_409 = arith.constant dense<0.000000e+00> : vector<1xf32>
      %reduce_sum3A_410 = vector.multi_reduction <add>, %reduce_sum3A_408, %reduce_sum3A_409 [1, 2] : vector<1x8x1xf32> to vector<1xf32>
      %reduce_sum3A_411 = vector.shape_cast %reduce_sum3A_410 : vector<1xf32> to vector<1x1x1xf32>
      %reduce_sum3A_412 = vector.extract %reduce_sum3A_411[0, 0, 0] : f32 from vector<1x1x1xf32>
      %convert_element_type3A_413 = arith.fptosi %reduce_sum3A_412 : f32 to i32
      %ge3A_414 = vector.broadcast %convert_element_type3A_413 : i32 to vector<1x128xi32>
      %ge3A_415 = arith.cmpi sge, %mul3A_336, %ge3A_414 : vector<1x128xi32>
      %convert_element_type3A_416 = arith.extui %ge3A_415 : vector<1x128xi1> to vector<1x128xi32>
      %add3A_417 = arith.addi %add3A_401, %convert_element_type3A_416 : vector<1x128xi32>
      %eq3A_418 = arith.constant 5 : i32
      %eq3A_419 = vector.broadcast %eq3A_418 : i32 to vector<8x1xi32>
      %eq3A_420 = arith.cmpi eq, %iota3A_170, %eq3A_419 : vector<8x1xi32>
      %jit3A_421 = arith.constant 0.000000e+00 : f32
      %broadcast_in_dim3A_422 = vector.broadcast %jit3A_421 : f32 to vector<8x1xf32>
      %select_n3A_423 = arith.select %eq3A_420, %add3A_169, %broadcast_in_dim3A_422 : vector<8x1xi1>, vector<8x1xf32>
      %reduce_sum3A_424 = vector.shape_cast %select_n3A_423 : vector<8x1xf32> to vector<1x8x1xf32>
      %reduce_sum3A_425 = arith.constant dense<0.000000e+00> : vector<1xf32>
      %reduce_sum3A_426 = vector.multi_reduction <add>, %reduce_sum3A_424, %reduce_sum3A_425 [1, 2] : vector<1x8x1xf32> to vector<1xf32>
      %reduce_sum3A_427 = vector.shape_cast %reduce_sum3A_426 : vector<1xf32> to vector<1x1x1xf32>
      %reduce_sum3A_428 = vector.extract %reduce_sum3A_427[0, 0, 0] : f32 from vector<1x1x1xf32>
      %convert_element_type3A_429 = arith.fptosi %reduce_sum3A_428 : f32 to i32
      %ge3A_430 = vector.broadcast %convert_element_type3A_429 : i32 to vector<1x128xi32>
      %ge3A_431 = arith.cmpi sge, %mul3A_336, %ge3A_430 : vector<1x128xi32>
      %convert_element_type3A_432 = arith.extui %ge3A_431 : vector<1x128xi1> to vector<1x128xi32>
      %add3A_433 = arith.addi %add3A_417, %convert_element_type3A_432 : vector<1x128xi32>
      %eq3A_434 = arith.constant 6 : i32
      %eq3A_435 = vector.broadcast %eq3A_434 : i32 to vector<8x1xi32>
      %eq3A_436 = arith.cmpi eq, %iota3A_170, %eq3A_435 : vector<8x1xi32>
      %jit3A_437 = arith.constant 0.000000e+00 : f32
      %broadcast_in_dim3A_438 = vector.broadcast %jit3A_437 : f32 to vector<8x1xf32>
      %select_n3A_439 = arith.select %eq3A_436, %add3A_169, %broadcast_in_dim3A_438 : vector<8x1xi1>, vector<8x1xf32>
      %reduce_sum3A_440 = vector.shape_cast %select_n3A_439 : vector<8x1xf32> to vector<1x8x1xf32>
      %reduce_sum3A_441 = arith.constant dense<0.000000e+00> : vector<1xf32>
      %reduce_sum3A_442 = vector.multi_reduction <add>, %reduce_sum3A_440, %reduce_sum3A_441 [1, 2] : vector<1x8x1xf32> to vector<1xf32>
      %reduce_sum3A_443 = vector.shape_cast %reduce_sum3A_442 : vector<1xf32> to vector<1x1x1xf32>
      %reduce_sum3A_444 = vector.extract %reduce_sum3A_443[0, 0, 0] : f32 from vector<1x1x1xf32>
      %convert_element_type3A_445 = arith.fptosi %reduce_sum3A_444 : f32 to i32
      %ge3A_446 = vector.broadcast %convert_element_type3A_445 : i32 to vector<1x128xi32>
      %ge3A_447 = arith.cmpi sge, %mul3A_336, %ge3A_446 : vector<1x128xi32>
      %convert_element_type3A_448 = arith.extui %ge3A_447 : vector<1x128xi1> to vector<1x128xi32>
      %add3A_449 = arith.addi %add3A_433, %convert_element_type3A_448 : vector<1x128xi32>
      %eq3A_450 = arith.constant 7 : i32
      %eq3A_451 = vector.broadcast %eq3A_450 : i32 to vector<8x1xi32>
      %eq3A_452 = arith.cmpi eq, %iota3A_170, %eq3A_451 : vector<8x1xi32>
      %jit3A_453 = arith.constant 0.000000e+00 : f32
      %broadcast_in_dim3A_454 = vector.broadcast %jit3A_453 : f32 to vector<8x1xf32>
      %select_n3A_455 = arith.select %eq3A_452, %add3A_169, %broadcast_in_dim3A_454 : vector<8x1xi1>, vector<8x1xf32>
      %reduce_sum3A_456 = vector.shape_cast %select_n3A_455 : vector<8x1xf32> to vector<1x8x1xf32>
      %reduce_sum3A_457 = arith.constant dense<0.000000e+00> : vector<1xf32>
      %reduce_sum3A_458 = vector.multi_reduction <add>, %reduce_sum3A_456, %reduce_sum3A_457 [1, 2] : vector<1x8x1xf32> to vector<1xf32>
      %reduce_sum3A_459 = vector.shape_cast %reduce_sum3A_458 : vector<1xf32> to vector<1x1x1xf32>
      %reduce_sum3A_460 = vector.extract %reduce_sum3A_459[0, 0, 0] : f32 from vector<1x1x1xf32>
      %convert_element_type3A_461 = arith.fptosi %reduce_sum3A_460 : f32 to i32
      %ge3A_462 = vector.broadcast %convert_element_type3A_461 : i32 to vector<1x128xi32>
      %ge3A_463 = arith.cmpi sge, %mul3A_336, %ge3A_462 : vector<1x128xi32>
      %convert_element_type3A_464 = arith.extui %ge3A_463 : vector<1x128xi1> to vector<1x128xi32>
      %add3A_465 = arith.addi %add3A_449, %convert_element_type3A_464 : vector<1x128xi32>
      %reduce_sum3A_466 = vector.shape_cast %mul3A_162 : vector<8x1xf32> to vector<1x8x1xf32>
      %reduce_sum3A_467 = arith.constant dense<0.000000e+00> : vector<1xf32>
      %reduce_sum3A_468 = vector.multi_reduction <add>, %reduce_sum3A_466, %reduce_sum3A_467 [1, 2] : vector<1x8x1xf32> to vector<1xf32>
      %reduce_sum3A_469 = vector.shape_cast %reduce_sum3A_468 : vector<1xf32> to vector<1x1x1xf32>
      %reduce_sum3A_470 = vector.extract %reduce_sum3A_469[0, 0, 0] : f32 from vector<1x1x1xf32>
      %convert_element_type3A_471 = arith.fptosi %reduce_sum3A_470 : f32 to i32
      %lt3A = vector.broadcast %convert_element_type3A_471 : i32 to vector<1x128xi32>
      %lt3A_472 = arith.cmpi slt, %mul3A_336, %lt3A : vector<1x128xi32>
      %convert_element_type3A_473 = arith.extui %lt3A_472 : vector<1x128xi1> to vector<1x128xi32>
      %min3A = arith.constant 7 : i32
      %min3A_474 = vector.broadcast %min3A : i32 to vector<1x128xi32>
      %min3A_475 = arith.minsi %add3A_465, %min3A_474 : vector<1x128xi32>
      %broadcast_in_dim3A_476 = arith.constant 0 : i32
      %broadcast_in_dim3A_477 = vector.broadcast %broadcast_in_dim3A_476 : i32 to vector<6x128xi32>
      %concatenate3A_478 = tpu.concatenate %min3A_475, %convert_element_type3A_473, %broadcast_in_dim3A_477 in 0 : vector<1x128xi32>, vector<1x128xi32>, vector<6x128xi32> -> vector<8x128xi32>
      %swap3A_479 = arith.constant 0 : index
      %swap3A_480 = arith.constant 0 : index
      %swap3A_481 = vector.load %arg5[%swap3A_479, %swap3A_480] : memref<8x128xi32, #tpu.memory_space<vmem>>, vector<8x128xi32>
      tpu.vector_store %arg5[%swap3A_479, %swap3A_480], %concatenate3A_478 {strides = array<i32>} : memref<8x128xi32, #tpu.memory_space<vmem>>, vector<8x128xi32>,
    } else {
    }
    return
  }
  func.func @transform_0(%arg0: i32) -> (i32, i32) {
    %c0_i32 = arith.constant 0 : i32
    %c0_i32_0 = arith.constant 0 : i32
    return %arg0, %c0_i32 : i32, i32
  }
  func.func @transform_1(%arg0: i32) -> (i32, i32) {
    %c0_i32 = arith.constant 0 : i32
    %c0_i32_0 = arith.constant 0 : i32
    %c0_i32_1 = arith.constant 0 : i32
    return %c0_i32, %c0_i32_0 : i32, i32
  }
  func.func @transform_2(%arg0: i32) -> (i32, i32) {
    %c0_i32 = arith.constant 0 : i32
    %c0_i32_0 = arith.constant 0 : i32
    %c0_i32_1 = arith.constant 0 : i32
    return %c0_i32, %c0_i32_0 : i32, i32
  }
  func.func @transform_3(%arg0: i32) -> (i32, i32) {
    %c0_i32 = arith.constant 0 : i32
    %c0_i32_0 = arith.constant 0 : i32
    %c0_i32_1 = arith.constant 0 : i32
    return %c0_i32, %c0_i32_0 : i32, i32
  }
  func.func @transform_4(%arg0: i32) -> (i32, i32) {
    %c0_i32 = arith.constant 0 : i32
    %c0_i32_0 = arith.constant 0 : i32
    %c0_i32_1 = arith.constant 0 : i32
    return %c0_i32, %c0_i32_0 : i32, i32
  }
}

module attributes {stable_mosaic.version = 14 : i64} {
  func.func @_ffn_body(%arg0: i32, %arg1: memref<1024xi32, #tpu.memory_space<smem>>, %arg2: memref<64x1024xf32, #tpu.memory_space<vmem>>, %arg3: memref<1x1024x2048xf32, #tpu.memory_space<vmem>>, %arg4: memref<8x2048xf32, #tpu.memory_space<vmem>>, %arg5: memref<1x2048x1024xf32, #tpu.memory_space<vmem>>, %arg6: memref<8x1024xf32, #tpu.memory_space<vmem>>, %arg7: memref<64x1024xf32, #tpu.memory_space<vmem>>) attributes {dimension_semantics = [#tpu.dimension_semantics<arbitrary>], iteration_bounds = array<i64: 40>, scalar_prefetch = 1 : i64, scratch_operands = 0 : i64, tpu.core_type = #tpu.core_type<tc>, window_params = [{transform_indices = @transform_0, window_bounds = array<i64: 64, 1024>}, {transform_indices = @transform_1, window_bounds = array<i64: 1, 1024, 2048>}, {pipeline_mode = #tpu.pipeline_mode<synchronous>, transform_indices = @transform_2, window_bounds = array<i64: 8, 2048>}, {transform_indices = @transform_3, window_bounds = array<i64: 1, 2048, 1024>}, {pipeline_mode = #tpu.pipeline_mode<synchronous>, transform_indices = @transform_4, window_bounds = array<i64: 8, 1024>}, {transform_indices = @transform_5, window_bounds = array<i64: 64, 1024>}]} {
    %add3A = arith.constant 128 : i32
    %add3A_0 = arith.addi %add3A, %arg0 : i32
    %get3A = arith.index_cast %add3A_0 : i32 to index
    %get3A_1 = memref.load %arg1[%get3A] : memref<1024xi32, #tpu.memory_space<smem>>
    %ne3A = arith.constant 0 : i32
    %ne3A_2 = arith.cmpi ne, %get3A_1, %ne3A : i32
    %convert_element_type3A = arith.extui %ne3A_2 : i1 to i32
    %cond3A = arith.constant 0 : i32
    %cond3A_3 = arith.cmpi ne, %convert_element_type3A, %cond3A : i32
    scf.if %cond3A_3 {
      %get3A_4 = arith.index_cast %arg0 : i32 to index
      %get3A_5 = memref.load %arg1[%get3A_4] : memref<1024xi32, #tpu.memory_space<smem>>
      %iota3A = tpu.iota {dimensions = array<i32: 0>} : vector<8x1xi32>
      %eq3A = vector.broadcast %get3A_5 : i32 to vector<8x1xi32>
      %eq3A_6 = arith.cmpi eq, %iota3A, %eq3A : vector<8x1xi32>
      %get3A_7 = arith.constant 0 : index
      %get3A_8 = arith.constant 0 : index
      %get3A_9 = vector.load %arg4[%get3A_7, %get3A_8] : memref<8x2048xf32, #tpu.memory_space<vmem>>, vector<8x2048xf32>
      %jit3A = arith.constant 0.000000e+00 : f32
      %broadcast_in_dim3A = vector.shape_cast %eq3A_6 : vector<8x1xi1> to vector<8x1xi1>
      %broadcast_in_dim3A_10 = vector.broadcast %broadcast_in_dim3A : vector<8x1xi1> to vector<8x2048xi1>
      %broadcast_in_dim3A_11 = vector.broadcast %jit3A : f32 to vector<8x2048xf32>
      %select_n3A = arith.select %broadcast_in_dim3A_10, %get3A_9, %broadcast_in_dim3A_11 : vector<8x2048xi1>, vector<8x2048xf32>
      %reduce_sum3A = arith.constant dense<0.000000e+00> : vector<2048xf32>
      %reduce_sum3A_12 = vector.multi_reduction <add>, %select_n3A, %reduce_sum3A [0] : vector<8x2048xf32> to vector<2048xf32>
      %broadcast_in_dim3A_13 = vector.shape_cast %reduce_sum3A_12 : vector<2048xf32> to vector<1x2048xf32>
      %get3A_14 = arith.constant 0 : index
      %get3A_15 = arith.constant 0 : index
      %get3A_16 = vector.load %arg6[%get3A_14, %get3A_15] : memref<8x1024xf32, #tpu.memory_space<vmem>>, vector<8x1024xf32>
      %jit3A_17 = arith.constant 0.000000e+00 : f32
      %broadcast_in_dim3A_18 = vector.shape_cast %eq3A_6 : vector<8x1xi1> to vector<8x1xi1>
      %broadcast_in_dim3A_19 = vector.broadcast %broadcast_in_dim3A_18 : vector<8x1xi1> to vector<8x1024xi1>
      %broadcast_in_dim3A_20 = vector.broadcast %jit3A_17 : f32 to vector<8x1024xf32>
      %select_n3A_21 = arith.select %broadcast_in_dim3A_19, %get3A_16, %broadcast_in_dim3A_20 : vector<8x1024xi1>, vector<8x1024xf32>
      %reduce_sum3A_22 = arith.constant dense<0.000000e+00> : vector<1024xf32>
      %reduce_sum3A_23 = vector.multi_reduction <add>, %select_n3A_21, %reduce_sum3A_22 [0] : vector<8x1024xf32> to vector<1024xf32>
      %broadcast_in_dim3A_24 = vector.shape_cast %reduce_sum3A_23 : vector<1024xf32> to vector<1x1024xf32>
      %get3A_25 = arith.constant 0 : index
      %get3A_26 = arith.constant 0 : index
      %get3A_27 = vector.load %arg2[%get3A_25, %get3A_26] : memref<64x1024xf32, #tpu.memory_space<vmem>>, vector<64x1024xf32>
      %get3A_28 = arith.constant 0 : index
      %get3A_29 = arith.constant 0 : index
      %get3A_30 = arith.constant 0 : index
      %get3A_31 = vector.load %arg3[%get3A_28, %get3A_29, %get3A_30] : memref<1x1024x2048xf32, #tpu.memory_space<vmem>>, vector<1x1024x2048xf32>
      %get3A_32 = vector.shape_cast %get3A_31 : vector<1x1024x2048xf32> to vector<1024x2048xf32>
      %dot_general3A = arith.constant dense<0.000000e+00> : vector<64x2048xf32>
      %dot_general3A_33 = tpu.matmul %get3A_27, %get3A_32, %dot_general3A {dimension_numbers = #tpu.dot_dimension_numbers<[1], [0], [0], [1], [0, 0, 1, 1], [], []>, transpose_lhs_hint = false} : vector<64x1024xf32>, vector<1024x2048xf32>, vector<64x2048xf32> -> vector<64x2048xf32>
      %add3A_34 = vector.broadcast %broadcast_in_dim3A_13 : vector<1x2048xf32> to vector<64x2048xf32>
      %add3A_35 = arith.addf %dot_general3A_33, %add3A_34 : vector<64x2048xf32>
      %mul3A = arith.constant 5.000000e-01 : f32
      %mul3A_36 = vector.broadcast %mul3A : f32 to vector<64x2048xf32>
      %mul3A_37 = arith.mulf %mul3A_36, %add3A_35 : vector<64x2048xf32>
      %mul3A_38 = arith.constant 0.707106769 : f32
      %mul3A_39 = vector.broadcast %mul3A_38 : f32 to vector<64x2048xf32>
      %mul3A_40 = arith.mulf %add3A_35, %mul3A_39 : vector<64x2048xf32>
      %erf3A = math.erf %mul3A_40 : vector<64x2048xf32>
      %add3A_41 = arith.constant 1.000000e+00 : f32
      %add3A_42 = vector.broadcast %add3A_41 : f32 to vector<64x2048xf32>
      %add3A_43 = arith.addf %add3A_42, %erf3A : vector<64x2048xf32>
      %mul3A_44 = arith.mulf %mul3A_37, %add3A_43 : vector<64x2048xf32>
      %get3A_45 = arith.constant 0 : index
      %get3A_46 = arith.constant 0 : index
      %get3A_47 = arith.constant 0 : index
      %get3A_48 = vector.load %arg5[%get3A_45, %get3A_46, %get3A_47] : memref<1x2048x1024xf32, #tpu.memory_space<vmem>>, vector<1x2048x1024xf32>
      %get3A_49 = vector.shape_cast %get3A_48 : vector<1x2048x1024xf32> to vector<2048x1024xf32>
      %dot_general3A_50 = arith.constant dense<0.000000e+00> : vector<64x1024xf32>
      %dot_general3A_51 = tpu.matmul %mul3A_44, %get3A_49, %dot_general3A_50 {dimension_numbers = #tpu.dot_dimension_numbers<[1], [0], [0], [1], [0, 0, 1, 1], [], []>, transpose_lhs_hint = false} : vector<64x2048xf32>, vector<2048x1024xf32>, vector<64x1024xf32> -> vector<64x1024xf32>
      %add3A_52 = vector.broadcast %broadcast_in_dim3A_24 : vector<1x1024xf32> to vector<64x1024xf32>
      %add3A_53 = arith.addf %dot_general3A_51, %add3A_52 : vector<64x1024xf32>
      %swap3A = arith.constant 0 : index
      %swap3A_54 = arith.constant 0 : index
      %swap3A_55 = vector.load %arg7[%swap3A, %swap3A_54] : memref<64x1024xf32, #tpu.memory_space<vmem>>, vector<64x1024xf32>
      tpu.vector_store %arg7[%swap3A, %swap3A_54], %add3A_53 {strides = array<i32>} : memref<64x1024xf32, #tpu.memory_space<vmem>>, vector<64x1024xf32>,
    } else {
    }
    return
  }
  func.func @transform_0(%arg0: i32, %arg1: memref<1024xi32, #tpu.memory_space<smem>>) -> (i32, i32) {
    %c0_i32 = arith.constant 0 : i32
    %c0_i32_0 = arith.constant 0 : i32
    return %arg0, %c0_i32 : i32, i32
  }
  func.func @transform_1(%arg0: i32, %arg1: memref<1024xi32, #tpu.memory_space<smem>>) -> (i32, i32, i32) {
    %get3A = arith.index_cast %arg0 : i32 to index
    %get3A_0 = memref.load %arg1[%get3A] : memref<1024xi32, #tpu.memory_space<smem>>
    %c0_i32 = arith.constant 0 : i32
    %c0_i32_1 = arith.constant 0 : i32
    %c0_i32_2 = arith.constant 0 : i32
    return %get3A_0, %c0_i32, %c0_i32_1 : i32, i32, i32
  }
  func.func @transform_2(%arg0: i32, %arg1: memref<1024xi32, #tpu.memory_space<smem>>) -> (i32, i32) {
    %c0_i32 = arith.constant 0 : i32
    %c0_i32_0 = arith.constant 0 : i32
    %c0_i32_1 = arith.constant 0 : i32
    return %c0_i32, %c0_i32_0 : i32, i32
  }
  func.func @transform_3(%arg0: i32, %arg1: memref<1024xi32, #tpu.memory_space<smem>>) -> (i32, i32, i32) {
    %get3A = arith.index_cast %arg0 : i32 to index
    %get3A_0 = memref.load %arg1[%get3A] : memref<1024xi32, #tpu.memory_space<smem>>
    %c0_i32 = arith.constant 0 : i32
    %c0_i32_1 = arith.constant 0 : i32
    %c0_i32_2 = arith.constant 0 : i32
    return %get3A_0, %c0_i32, %c0_i32_1 : i32, i32, i32
  }
  func.func @transform_4(%arg0: i32, %arg1: memref<1024xi32, #tpu.memory_space<smem>>) -> (i32, i32) {
    %c0_i32 = arith.constant 0 : i32
    %c0_i32_0 = arith.constant 0 : i32
    %c0_i32_1 = arith.constant 0 : i32
    return %c0_i32, %c0_i32_0 : i32, i32
  }
  func.func @transform_5(%arg0: i32, %arg1: memref<1024xi32, #tpu.memory_space<smem>>) -> (i32, i32) {
    %c0_i32 = arith.constant 0 : i32
    %c0_i32_0 = arith.constant 0 : i32
    return %arg0, %c0_i32 : i32, i32
  }
}

</mosaic_0001>

<sc_bundles>
// kernel: kernel.6.cloned.1.call-start
scs
__scs_entry_jumppad:
0x0: {  	(pc) =	sbr.rel $0x88, $3  }
0x1: {  	(tag) =	ssettag $0x0;
	lr =	simm.s32 $0x1  }
0x2: {  	[smem:$0x3F9A] =	sst lr;
	_ =	strace $0xD0000000  }
0x3: {  	_ = 	snop  }
0x4: {  	_ = 	snop  }
0x5: {  	_ = 	snop  }
0x6: {  	_ = 	snop  }
0x7: {  	_ = 	snop  }
__scs_overlays_trampoline_lowered:
0x8: {  	[smem:$0x3FA9] =	sst s0  }
0x9: {  	[smem:$0x3FAA] =	sst s1  }
0xa: {  	[smem:$0x3FAB] =	sst s2  }
0xb: {  	[smem:$0x3FAC] =	sst s3  }
0xc: {  	[smem:$0x3FAD] =	sst s4  }
0xd: {  	[smem:$0x3FAE] =	sst s5  }
0xe: {  	[smem:$0x3FAF] =	sst s6  }
0xf: {  	[smem:$0x3FB0] =	sst s7  }
0x10: {  	[smem:$0x3FB1] =	sst s8  }
0x11: {  	[smem:$0x3FB2] =	sst s9;
	s0 =	simm.s32 @!p0 $0x0  }
0x12: {  	s1 =	sld [smem:$0x3F98];
	s0 =	simm.s32 @p0 $0x1  }
0x13: {  	[smem:$0x3FB3] =	sst s0;
	s0 =	simm.s32 @!p1 $0x0  }
0x14: {  	s2 =	sld [smem:$0x3F97];
	s0 =	simm.s32 @p1 $0x1  }
0x15: {  	[smem:$0x3FB4] =	sst s0;
	s0 =	simm.s32 @!p2 $0x0  }
0x16: {  	s3 =	sld [smem:$0x3FDB];
	s0 =	simm.s32 @p2 $0x1  }
0x17: {  	s4 =	simm.s32 $0x1BF5;
	[smem:$0x3FB6] =	sst s0  }
0x18: {  	s0 =	sld [smem:$0x3F99];
	_ =	swait.ge [sflag:s4], $0x0  }
0x19: {  	s7 =	sld [smem:$0x3F9A]  }
0x1a: {  	s8 =	sadd.s32 $0xFFFFE003, lr  }
0x1b: {  	s9 =	sadd.s32 $0xFFFFFEF7, lr;
	s5 =	simm.s32 $0xFFFFFFFF;
	p2 =	slt.u32 s8, $0xFFFFF086  }
0x1c: {  	p1 =	slt.u32 s9, $0xF7A;
	s5 =	simm.s32 @!p2 $0x0  }
0x1d: {  	s5 =	simm.s32 @p1 $0x1;
	p0 =	seq.s32 s7, s2  }
0x1e: {  	s7 =	smul.u32 @!p0 $0xF7A, s2;
	p2 =	seq.s32 @!p0 s5, $0x0  }
0x1f: {  	s9 =	smul.u32 $0xF7A, s1;
	s8 =	simm.s32 @!p0 $0x1BF5;
	p2 =	por !p2, p0  }
0x20: {  	[sflag:s8] =	ssyncset.s32 @!p0 $0xFFFFF086;
	s6 =	sadd.s32 @!p0 s3, s7;
	s7 =	simm.s32 @!p0 $0x108  }
0x21: {  	s3 =	sadd.s32 s3, s9;
	s6 =	sadd.s32 @!p0 $0x88, s6;
	s7 =	simm.s32 @p2 $0x1082  }
0x22: {  	[simem:s7], [sflag:s8] =	dma.local @!p0 [hbm:s6], $0xF7A  }
0x23: {  	s9 =	sor.u32 $0xD0000000, s2;
	s6 =	simm.s32 $0x108;
	_ =	swait.ge @!p0 [sflag:s8], $0x0  }
0x24: {  	s3 =	sadd.s32 $0x88, s3;
	s6 =	simm.s32 @!p1 $0x1082;
	[sflag:s4] =	ssyncset.s32 $0xFFFFF086  }
0x25: {  	[simem:s6], [sflag:s4] =	dma.local [hbm:s3], $0xF7A  }
0x26: {  	[smem:$0x3F9A] =	sst s1;
	(tag) =	ssettag s2;
	_ =	strace s9  }
0x27: {  	s1 =	sld [smem:$0x3FAA]  }
0x28: {  	s2 =	sld [smem:$0x3FAB]  }
0x29: {  	s4 =	sld [smem:$0x3FAD]  }
0x2a: {  	p0 =	seq.s32 s5, $0x0;
	s5 =	sld [smem:$0x3FAE]  }
0x2b: {  	s6 =	sld [smem:$0x3FAF]  }
0x2c: {  	s7 =	sld [smem:$0x3FB0]  }
0x2d: {  	s3 =	simm.s32 $0x108;
	s8 =	sld [smem:$0x3FB1]  }
0x2e: {  	s3 =	simm.s32 @!p0 $0x1082;
	s9 =	sld [smem:$0x3FB2]  }
0x2f: {  	lr =	sadd.s32 s0, s3;
	s0 =	sld [smem:$0x3FA9]  }
0x30: {  	s3 =	sld [smem:$0x3FAC]  }
0x31: {  	[smem:$0x3FB5] =	sst s10  }
0x32: {  	s10 =	sld [smem:$0x3FB3];
	_ =	sdelay $0x3  }
0x33: {  	p0 =	seq.s32 s10, $0x1;
	s10 =	sld [smem:$0x3FB5];
	_ =	sdelay $0x3  }
0x34: {  	[smem:$0x3FB5] =	sst s10  }
0x35: {  	s10 =	sld [smem:$0x3FB4];
	_ =	sdelay $0x3  }
0x36: {  	p1 =	seq.s32 s10, $0x1;
	s10 =	sld [smem:$0x3FB5];
	_ =	sdelay $0x3  }
0x37: {  	[smem:$0x3FB5] =	sst s10  }
0x38: {  	s10 =	sld [smem:$0x3FB6]  }
0x39: {  	_ = 	snop;
	(pc) =	sbr.ind lr, $3  }
0x3a: {  	_ = 	snop  }
0x3b: {  	_ = 	snop  }
0x3c: {  	p2 =	seq.s32 s10, $0x1;
	s10 =	sld [smem:$0x3FB5]  }
0x3d: {  	_ =	shalt  }
0x3e: {  	_ =	shalt  }
0x3f: {  	_ =	shalt  }
0x40: {  	_ =	shalt  }
0x41: {  	_ =	shalt  }
0x42: {  	_ =	shalt  }
0x43: {  	_ =	shalt  }
0x44: {  	_ =	shalt  }
0x45: {  	_ =	shalt  }
0x46: {  	_ =	shalt  }
0x47: {  	_ =	shalt  }
0x48: {  	_ =	shalt  }
0x49: {  	_ =	shalt  }
0x4a: {  	_ =	shalt  }
0x4b: {  	_ =	shalt  }
0x4c: {  	_ =	shalt  }
0x4d: {  	_ =	shalt  }
0x4e: {  	_ =	shalt  }
0x4f: {  	_ =	shalt  }
0x50: {  	_ =	shalt  }
0x51: {  	_ =	shalt  }
0x52: {  	_ =	shalt  }
0x53: {  	_ =	shalt  }
0x54: {  	_ =	shalt  }
0x55: {  	_ =	shalt  }
0x56: {  	_ =	shalt  }
0x57: {  	_ =	shalt  }
0x58: {  	_ =	shalt  }
0x59: {  	_ =	shalt  }
0x5a: {  	_ =	shalt  }
0x5b: {  	_ =	shalt  }
0x5c: {  	_ =	shalt  }
0x5d: {  	_ =	shalt  }
0x5e: {  	_ =	shalt  }
0x5f: {  	_ =	shalt  }
0x60: {  	_ =	shalt  }
0x61: {  	_ =	shalt  }
0x62: {  	_ =	shalt  }
0x63: {  	_ =	shalt  }
0x64: {  	_ =	shalt  }
0x65: {  	_ =	shalt  }
0x66: {  	_ =	shalt  }
0x67: {  	_ =	shalt  }
0x68: {  	_ =	shalt  }
0x69: {  	_ =	shalt  }
0x6a: {  	_ =	shalt  }
0x6b: {  	_ =	shalt  }
0x6c: {  	_ =	shalt  }
0x6d: {  	_ =	shalt  }
0x6e: {  	_ =	shalt  }
0x6f: {  	_ =	shalt  }
0x70: {  	_ =	shalt  }
0x71: {  	_ =	shalt  }
0x72: {  	_ =	shalt  }
0x73: {  	_ =	shalt  }
0x74: {  	_ =	shalt  }
0x75: {  	_ =	shalt  }
0x76: {  	_ =	shalt  }
0x77: {  	_ =	shalt  }
0x78: {  	_ =	shalt  }
0x79: {  	_ =	shalt  }
0x7a: {  	_ =	shalt  }
0x7b: {  	_ =	shalt  }
0x7c: {  	_ =	shalt  }
0x7d: {  	_ =	shalt  }
0x7e: {  	_ =	shalt  }
0x7f: {  	_ =	shalt  }
0x80: {  	_ =	shalt  }
0x81: {  	_ =	shalt  }
0x82: {  	_ =	shalt  }
0x83: {  	_ =	shalt  }
0x84: {  	_ =	shalt  }
0x85: {  	_ =	shalt  }
0x86: {  	_ =	shalt  }
0x87: {  	_ =	shalt  }
.Lfunc_end0:
.L_simem_size_0:
called_computation_lowered:
.L_overlay_start_0:
0x88: {  	s2 =	sld [smem:$0x3FD9]  }
0x89: {  	s3 =	sld [smem:$0x3FFE];
	_ =	sdelay $0x1  }
0x8a: {  	s1 =	srdreg.scid  }
0x8b: {  	s0 =	sand.u32 $0x1, s1  }
0x8c: {  	s17 =	sshll.u32 s0, $0xA;
	s2 =	sadd.s32 s3, s2  }
0x8d: {  	s2 =	sadd.s32 s2, s17  }
0x8e: {  	[smem:$0x3FC1] =	sst s2  }
0x8f: {  	_ = 	snop  }
0x90: {  	s2 =	sld [smem:$0x3FC9];
	(tm) =	ssettm $0x1  }
0x91: {  	s18 =	sld [smem:$0x3FFB];
	_ =	sdelay $0x3  }
0x92: {  	_ =	strace s18  }
0x93: {  	s3 =	sld [smem:$0x3FFC];
	_ =	sdelay $0x3  }
0x94: {  	_ =	strace s3  }
0x95: {  	s3 =	sld [smem:$0x3FFD];
	_ =	sdelay $0x3  }
0x96: {  	_ =	strace s3  }
0x97: {  	_ =	strace $0x8FFFFFFF  }
0x98: {  	s19 =	sld [smem:$0x3FDB];
	_ =	sdelay $0x1  }
0x99: {  	s4 =	simm.s32 $_scs_section_size  }
0x9a: {  	s5 =	simm.s32 $_size__tile_overlayer_lowered;
	s6 =	simm.s32 $_tile_overlayer_lowered  }
0x9b: {  	s22 =	simm.s32 $0x1BFF;
	s21 =	sshll.u32 s6, $0x1;
	s3 =	sadd.s32 s4, s19  }
0x9c: {  	s7 =	simm.s32 $0x0;
	s20 =	sshll.u32 s5, $0x1;
	s5 =	sadd.s32 s21, s3  }
0x9d: {  	[timem:s7], [sflag:s22] =	dma.local [hbm:s5], s20  }
0x9e: {  	_ =	swait.ge [sflag:s22], s20  }
0x9f: {  	s4 =	ssub.s32 $0x0, s20;
	[sflag:s22] =	ssyncset.done $0x0  }
0xa0: {  	[sflag:s22] =	ssyncadd.s32 s4;
	_ =	sdelay $0x1  }
0xa1: {  	s23 =	simm.s32 $0x1B8B  }
0xa2: {  	_ =	swait.ge [sflag:s23], $0x1  }
0xa3: {  	[sflag:s23] =	ssyncset.done $0x0  }
0xa4: {  	s25 =	simm.s32 $0x1B8E;
	s24 =	sld [smem:$0x3FFE];
	[sflag:s23] =	ssyncadd.s32 $0xFFFFFFFF  }
0xa5: {  	s26 =	simm.s32 $execute0_lowered;
	[smem:$0x3FD2] =	sst s25  }
0xa6: {  	s5 =	sshll.u32 s26, $0x1;
	_ =	strace $0x80000046;
	[dreg:$0x1] =	wrdreg $0xFFFFFFFF  }
0xa7: {  	s28 =	simm.s32 $_size_execute0_lowered;
	s3 =	sadd.s32 s3, s5;
	[dreg:$0x0] =	wrdreg $0x0  }
0xa8: {  	s5 =	sshll.u32 s28, $0x1;
	[dreg:$0x2] =	wrdreg s3  }
0xa9: {  	[dreg:$0x3] =	wrdreg s5  }
0xaa: {  	[dreg:$0x4] =	wrdreg $0xC0  }
0xab: {  	_ =	task [dreg:s7], $0x5FFFF  }
0xac: {  	[dreg:$0x1] =	wrdreg $0xFFFFFFFF  }
0xad: {  	[dreg:$0x0] =	wrdreg $0x60  }
0xae: {  	[dreg:$0x2] =	wrdreg s2  }
0xaf: {  	[dreg:$0x3] =	wrdreg s24  }
0xb0: {  	[dreg:$0x4] =	wrdreg $0x9  }
0xb1: {  	_ =	task.clear_ibuf [dreg:s7], $0x5FFFF;
	_ =	strace $0x90000046  }
0xb2: {  	s29 =	simm.s32 $0x9;
	_ =	strace $0x80000048  }
0xb3: {  	_ =	swait.ge [sflag:s29], $0x1  }
0xb4: {  	[sflag:s29] =	ssyncadd.s32 $0xFFFFFFFF  }
0xb5: {  	_ =	strace $0x90000048  }
0xb6: {  	_ =	sfence  }
0xb7: {  	s30 =	sld [smem:$0x0];
	_ =	sdelay $0x2  }
0xb8: {  	s31 =	sshll.u32 s1, $0xD;
	s1 =	sshrl.u32 s1, $0x2  }
0xb9: {  	s3 =	sand.u32 $0x4000, s31;
	s1 =	sadd.s32 s1, s30  }
0xba: {  	s0 =	sor.u32 s3, s0;
	s1 =	sshll.u32 s1, $0x11  }
0xbb: {  	s0 =	sor.u32 s1, s0  }
0xbc: {  	s0 =	sadd.s32 $0x8F2B, s0  }
0xbd: {  	[sflag:s0] =	ssyncadd.remote.s32 $0x1  }
0xbe: {  	_ =	sfence.sel $0xFFFF  }
0xbf: {  	[dreg:$0x0] =	wrdreg $0xFFFFFFFF;
	(pc) =	sbr.abs _section_cstart, $3  }
0xc0: {  	[dreg:$0x1] =	wrdreg $0xFFFFFFFF  }
0xc1: {  	_ =	task.clear_ibuf [dreg:s7], $0x2FFFF;
	_ =	strace $0x9FFFFFFF  }
0xc2: {  	(tm) =	ssettm $0x7FFFFFFF  }
0xc3: {  	_ =	shalt  }
tec
execute0_lowered:
.L_overlay_start_1:
0x0: {  	(tag) =	ssettag $0x1  }
0x1: {  	s1 =	srdreg.scid  }
0x2: {  	s0 =	stileid.u32;
	s3 =	rddreg [dreg:$0x0]  }
0x3: {  	s6 =	rddreg [dreg:$0x1];
	s18 =	simm.s32 $0x880;
	s19 =	simm.s32 $0x1080  }
0x4: {  	s20 =	simm.s32 $0x1880;
	s22 =	simm.s32 $0x2080;
	s23 =	simm.s32 $0x2880  }
0x5: {  	s7 =	simm.s32 $0x3080;
	s24 =	simm.s32 $0x3880;
	s8 =	simm.s32 $0x4080  }
0x6: {  	s25 =	simm.s32 $0x4880;
	s26 =	simm.s32 $0x5080;
	s1 =	sand.u32 $0x1, s1  }
0x7: {  	s9 =	simm.s32 $0x80;
	s2 =	sshll.u32 s0, $0x7;
	s4 =	sshll.u32 s1, $0x6  }
0x8: {  	s11 =	simm.s32 $0x6080;
	s4 =	sor.u32 s4, s2;
	s2 =	simm.s32 $0x0  }
0x9: {  	s12 =	simm.s32 $0x6880;
	s13 =	simm.s32 $0x7080;
	[smem:$0x7FF] =	sst s2  }
0xa: {  	s14 =	simm.s32 $0x7880;
	_ =	strace $0x80000047;
	[dreg:$0x5] =	wrdreg s18  }
0xb: {  	s15 =	simm.s32 $0x8080;
	s16 =	simm.s32 $0x8880;
	[dreg:$0x6] =	wrdreg s19  }
0xc: {  	s17 =	simm.s32 $0x9080;
	s28 =	simm.s32 $0xE080;
	[dreg:$0x7] =	wrdreg s20  }
0xd: {  	s29 =	simm.s32 $0xE880;
	s30 =	simm.s32 $0xF080;
	[dreg:$0x8] =	wrdreg s22  }
0xe: {  	s31 =	simm.s32 $0xF880;
	s1 =	ssub.s32 $0x2, s1;
	[dreg:$0x9] =	wrdreg s23  }
0xf: {  	s21 =	sshrl.u32 s1, $0x1;
	s5 =	sshrl.u32 s4, $0x3;
	[dreg:$0xa] =	wrdreg s7  }
0x10: {  	s4 =	sshll.u32 s4, $0x7;
	s1 =	ssub.s32 s1, s21;
	[dreg:$0xb] =	wrdreg s24  }
0x11: {  	s21 =	simm.s32 $0xB080;
	s5 =	sadd.s32 s5, s6;
	[dreg:$0xc] =	wrdreg s8  }
0x12: {  	s3 =	sadd.s32 s3, s4;
	s4 =	sadd.s32 $0x1500, s6;
	[dreg:$0xd] =	wrdreg s25  }
0x13: {  	s7 =	smax.u32 s1, $0x1;
	s8 =	simm.s32 $0x2;
	[dreg:$0xe] =	wrdreg s26  }
0x14: {  	s18 =	simm.s32 $0x9880;
	s19 =	simm.s32 $0xA080;
	s20 =	simm.s32 $0xA880  }
0x15: {  	s22 =	simm.s32 $0xB880;
	s23 =	simm.s32 $0xC080;
	s24 =	simm.s32 $0xC880  }
0x16: {  	v2 =	vlaneseq.u32;
	s25 =	simm.s32 $0xD080;
	s26 =	simm.s32 $0xD880;
	s1 =	simm.s32 $0x1  }
0x17: {  	vm0 =	vmmov $0xffff;
	v1 =	vshrl.u32 v2, $0x3;
	s5 =	sadd.s32 $0x1200, s5;
	[dreg:$0x4] =	wrdreg s3;
	s3 =	sadd.s32 $0x1400, s6  }
0x18: {  	v0 =	vand.u32 $0x7, v2;
	v2 =	vor.u32 $0x8, v2;
	v1 =	vmul.u32 $0x8, v1;
	[dreg:$0x3] =	wrdreg s5;
	s5 =	sadd.s32 $0x1600, s6;
	s6 =	sadd.s32 $0x1700, s6  }
.LBB2_1:
0x19: {  	s0 =	rddreg [dreg:$0x3]  }
0x1a: {  	[tilespmem:s2], [sflag:$0x2] =	stream.linear.gather [hbm4b:s0+s2], $0x40, $0x38;
	[tilespmem:$0x10080] =	vst v63  }
0x1b: {  	_ =	swait.ge [sflag:s8], $0x40  }
0x1c: {  	[sflag:s8] =	ssyncset.done $0x0  }
0x1d: {  	s10 =	rddreg [dreg:$0x4];
	[sflag:s8] =	ssyncadd.s32 $0xFFFFFFC0  }
0x1e: {  	[tilespmem:s9], [sflag:$0x2] =	stream.linear.gather [hbm4b:s10+s2], $0x10000, $0x38;
	[tilespmem:$0x10080] =	vst v63  }
0x1f: {  	_ =	swait.ge [sflag:s8], $0x10000  }
0x20: {  	[sflag:s8] =	ssyncset.done $0x0  }
0x21: {  	[sflag:s8] =	ssyncadd.s32 $0xFFFF0000  }
0x22: {  	v3 =	vld [tilespmem:$0x0];
	_ =	sdelay $0x4  }
0x23: {  	v4 =	vshll.u32 v3, $0x3  }
0x24: {  	v3 =	vand.u32 $0x7, v3;
	v4 =	vand.u32 $0xFFFFFFC0, v4  }
0x25: {  	v3 =	vor.u32 v3, v4  }
0x26: {  	v4 =	vperm.xlane v3, v0;
	_ =	sdelay $0x1  }
0x27: {  	v4 =	vadd.s32 v1, v4;
	_ =	sdelay $0x4  }
0x28: {  	[hbm4b:s3+s2] =	stream.indirect_vreg.scatter [tilespmem:s9], [sflag:$0x1], $0x80, v4, vm0, $0xb8;
	[tilespmem:$0x10080] =	vst v63  }
0x29: {  	s0 =	rddreg [dreg:$0x5];
	v3 =	vperm.xlane v3, v2  }
0x2a: {  	[hbm4b:s4+s2] =	stream.indirect_vreg.scatter [tilespmem:s0], [sflag:$0x1], $0x80, v4, vm0, $0xb8;
	[tilespmem:$0x10080] =	vst v63  }
0x2b: {  	s10 =	rddreg [dreg:$0x6];
	v3 =	vadd.s32 v1, v3  }
0x2c: {  	[hbm4b:s5+s2] =	stream.indirect_vreg.scatter [tilespmem:s10], [sflag:$0x1], $0x80, v4, vm0, $0xb8;
	[tilespmem:$0x10080] =	vst v63  }
0x2d: {  	s0 =	rddreg [dreg:$0x7]  }
0x2e: {  	[hbm4b:s6+s2] =	stream.indirect_vreg.scatter [tilespmem:s0], [sflag:$0x1], $0x80, v4, vm0, $0xb8;
	[tilespmem:$0x10080] =	vst v63  }
0x2f: {  	s10 =	rddreg [dreg:$0x8]  }
0x30: {  	[hbm4b:s3+s2] =	stream.indirect_vreg.scatter [tilespmem:s10], [sflag:$0x1], $0x80, v3, vm0, $0xb8;
	[tilespmem:$0x10080] =	vst v63  }
0x31: {  	s0 =	rddreg [dreg:$0x9]  }
0x32: {  	[hbm4b:s4+s2] =	stream.indirect_vreg.scatter [tilespmem:s0], [sflag:$0x1], $0x80, v3, vm0, $0xb8;
	[tilespmem:$0x10080] =	vst v63  }
0x33: {  	s10 =	rddreg [dreg:$0xa]  }
0x34: {  	[hbm4b:s5+s2] =	stream.indirect_vreg.scatter [tilespmem:s10], [sflag:$0x1], $0x80, v3, vm0, $0xb8;
	[tilespmem:$0x10080] =	vst v63  }
0x35: {  	s0 =	rddreg [dreg:$0xb]  }
0x36: {  	[hbm4b:s6+s2] =	stream.indirect_vreg.scatter [tilespmem:s0], [sflag:$0x1], $0x80, v3, vm0, $0xb8;
	[tilespmem:$0x10080] =	vst v63  }
0x37: {  	v3 =	vld [tilespmem:$0x10];
	_ =	sdelay $0x4  }
0x38: {  	v61 =	vshll.u32 v3, $0x3  }
0x39: {  	v3 =	vand.u32 $0x7, v3;
	v4 =	vand.u32 $0xFFFFFFC0, v61  }
0x3a: {  	v3 =	vor.u32 v3, v4  }
0x3b: {  	v4 =	vperm.xlane v3, v0;
	_ =	sdelay $0x1  }
0x3c: {  	v4 =	vadd.s32 v1, v4;
	_ =	sdelay $0x3  }
0x3d: {  	s0 =	rddreg [dreg:$0xc]  }
0x3e: {  	[hbm4b:s3+s2] =	stream.indirect_vreg.scatter [tilespmem:s0], [sflag:$0x1], $0x80, v4, vm0, $0xb8;
	[tilespmem:$0x10080] =	vst v63  }
0x3f: {  	s10 =	rddreg [dreg:$0xd];
	v3 =	vperm.xlane v3, v2  }
0x40: {  	[hbm4b:s4+s2] =	stream.indirect_vreg.scatter [tilespmem:s10], [sflag:$0x1], $0x80, v4, vm0, $0xb8;
	[tilespmem:$0x10080] =	vst v63  }
0x41: {  	v3 =	vadd.s32 v1, v3;
	s0 =	rddreg [dreg:$0xe]  }
0x42: {  	[hbm4b:s5+s2] =	stream.indirect_vreg.scatter [tilespmem:s0], [sflag:$0x1], $0x80, v4, vm0, $0xb8;
	[tilespmem:$0x10080] =	vst v63  }
0x43: {  	s10 =	simm.s32 $0x5880  }
0x44: {  	[hbm4b:s6+s2] =	stream.indirect_vreg.scatter [tilespmem:s10], [sflag:$0x1], $0x80, v4, vm0, $0xb8;
	[tilespmem:$0x10080] =	vst v63  }
0x45: {  	_ = 	snop  }
0x46: {  	[hbm4b:s3+s2] =	stream.indirect_vreg.scatter [tilespmem:s11], [sflag:$0x1], $0x80, v3, vm0, $0xb8;
	[tilespmem:$0x10080] =	vst v63  }
0x47: {  	_ = 	snop  }
0x48: {  	[hbm4b:s4+s2] =	stream.indirect_vreg.scatter [tilespmem:s12], [sflag:$0x1], $0x80, v3, vm0, $0xb8;
	[tilespmem:$0x10080] =	vst v63  }
0x49: {  	_ = 	snop  }
0x4a: {  	[hbm4b:s5+s2] =	stream.indirect_vreg.scatter [tilespmem:s13], [sflag:$0x1], $0x80, v3, vm0, $0xb8;
	[tilespmem:$0x10080] =	vst v63  }
0x4b: {  	_ = 	snop  }
0x4c: {  	[hbm4b:s6+s2] =	stream.indirect_vreg.scatter [tilespmem:s14], [sflag:$0x1], $0x80, v3, vm0, $0xb8;
	[tilespmem:$0x10080] =	vst v63  }
0x4d: {  	v3 =	vld [tilespmem:$0x20];
	_ =	sdelay $0x4  }
0x4e: {  	v62 =	vshll.u32 v3, $0x3  }
0x4f: {  	v3 =	vand.u32 $0x7, v3;
	v4 =	vand.u32 $0xFFFFFFC0, v62  }
0x50: {  	v3 =	vor.u32 v3, v4  }
0x51: {  	v4 =	vperm.xlane v3, v0;
	_ =	sdelay $0x1  }
0x52: {  	v4 =	vadd.s32 v1, v4;
	_ =	sdelay $0x4  }
0x53: {  	[hbm4b:s3+s2] =	stream.indirect_vreg.scatter [tilespmem:s15], [sflag:$0x1], $0x80, v4, vm0, $0xb8;
	[tilespmem:$0x10080] =	vst v63  }
0x54: {  	v3 =	vperm.xlane v3, v2  }
0x55: {  	[hbm4b:s4+s2] =	stream.indirect_vreg.scatter [tilespmem:s16], [sflag:$0x1], $0x80, v4, vm0, $0xb8;
	[tilespmem:$0x10080] =	vst v63  }
0x56: {  	v3 =	vadd.s32 v1, v3  }
0x57: {  	[hbm4b:s5+s2] =	stream.indirect_vreg.scatter [tilespmem:s17], [sflag:$0x1], $0x80, v4, vm0, $0xb8;
	[tilespmem:$0x10080] =	vst v63  }
0x58: {  	_ = 	snop  }
0x59: {  	[hbm4b:s6+s2] =	stream.indirect_vreg.scatter [tilespmem:s18], [sflag:$0x1], $0x80, v4, vm0, $0xb8;
	[tilespmem:$0x10080] =	vst v63  }
0x5a: {  	_ = 	snop  }
0x5b: {  	[hbm4b:s3+s2] =	stream.indirect_vreg.scatter [tilespmem:s19], [sflag:$0x1], $0x80, v3, vm0, $0xb8;
	[tilespmem:$0x10080] =	vst v63  }
0x5c: {  	_ = 	snop  }
0x5d: {  	[hbm4b:s4+s2] =	stream.indirect_vreg.scatter [tilespmem:s20], [sflag:$0x1], $0x80, v3, vm0, $0xb8;
	[tilespmem:$0x10080] =	vst v63  }
0x5e: {  	_ = 	snop  }
0x5f: {  	[hbm4b:s5+s2] =	stream.indirect_vreg.scatter [tilespmem:s21], [sflag:$0x1], $0x80, v3, vm0, $0xb8;
	[tilespmem:$0x10080] =	vst v63  }
0x60: {  	_ = 	snop  }
0x61: {  	[hbm4b:s6+s2] =	stream.indirect_vreg.scatter [tilespmem:s22], [sflag:$0x1], $0x80, v3, vm0, $0xb8;
	[tilespmem:$0x10080] =	vst v63  }
0x62: {  	v3 =	vld [tilespmem:$0x30];
	_ =	sdelay $0x4  }
0x63: {  	v63 =	vshll.u32 v3, $0x3  }
0x64: {  	v3 =	vand.u32 $0x7, v3;
	v4 =	vand.u32 $0xFFFFFFC0, v63  }
0x65: {  	v3 =	vor.u32 v3, v4  }
0x66: {  	v4 =	vperm.xlane v3, v0;
	_ =	sdelay $0x1  }
0x67: {  	v4 =	vadd.s32 v1, v4;
	_ =	sdelay $0x4  }
0x68: {  	[hbm4b:s3+s2] =	stream.indirect_vreg.scatter [tilespmem:s23], [sflag:$0x1], $0x80, v4, vm0, $0xb8;
	[tilespmem:$0x10080] =	vst v63  }
0x69: {  	v3 =	vperm.xlane v3, v2  }
0x6a: {  	[hbm4b:s4+s2] =	stream.indirect_vreg.scatter [tilespmem:s24], [sflag:$0x1], $0x80, v4, vm0, $0xb8;
	[tilespmem:$0x10080] =	vst v63  }
0x6b: {  	v3 =	vadd.s32 v1, v3  }
0x6c: {  	[hbm4b:s5+s2] =	stream.indirect_vreg.scatter [tilespmem:s25], [sflag:$0x1], $0x80, v4, vm0, $0xb8;
	[tilespmem:$0x10080] =	vst v63  }
0x6d: {  	_ = 	snop  }
0x6e: {  	[hbm4b:s6+s2] =	stream.indirect_vreg.scatter [tilespmem:s26], [sflag:$0x1], $0x80, v4, vm0, $0xb8;
	[tilespmem:$0x10080] =	vst v63  }
0x6f: {  	_ = 	snop  }
0x70: {  	[hbm4b:s3+s2] =	stream.indirect_vreg.scatter [tilespmem:s28], [sflag:$0x1], $0x80, v3, vm0, $0xb8;
	[tilespmem:$0x10080] =	vst v63  }
0x71: {  	_ = 	snop  }
0x72: {  	[hbm4b:s4+s2] =	stream.indirect_vreg.scatter [tilespmem:s29], [sflag:$0x1], $0x80, v3, vm0, $0xb8;
	[tilespmem:$0x10080] =	vst v63  }
0x73: {  	p0 =	sne.s32 s7, $0x1  }
0x74: {  	[hbm4b:s5+s2] =	stream.indirect_vreg.scatter [tilespmem:s30], [sflag:$0x1], $0x80, v3, vm0, $0xb8;
	[tilespmem:$0x10080] =	vst v63  }
.Ltmp0:
0x75: {  	_ = 	snop;
	(pc) =	sbr.rel @p0 .LBB2_1-.Ltmp0, $4  }
0x76: {  	[hbm4b:s6+s2] =	stream.indirect_vreg.scatter [tilespmem:s31], [sflag:$0x1], $0x80, v3, vm0, $0xb8;
	[tilespmem:$0x10080] =	vst v63  }
0x77: {  	_ =	swait.ge [sflag:s1], $0x10000  }
0x78: {  	[sflag:s1] =	ssyncset.done $0x0  }
0x79: {  	s7 =	sadd.s32 $0xFFFFFFFF, s7;
	[sflag:s1] =	ssyncadd.s32 $0xFFFF0000  }
0x7a: {  	_ =	sfence.sel $0x180000  }
0x7b: {  	[bflag:$0x0] =	sbarrier.arrive $0xFFFF  }
0x7c: {  	_ =	strace $0x90000047  }
0x7d: {  	s0 =	stileid.u32;
	[bflag:$0x2] =	sbarrier.arrive $0xFFFF  }
0x7e: {  	p0 =	sne.s32 s0, $0x0;
	s0 =	rddreg [dreg:$0x2]  }
0x7f: {  	s0 =	sadd.s32 @!p0 $0x100000, s0  }
0x80: {  	[sflag:s0] =	ssyncadd.tile.s32 @!p0 $0x1;
	_ =	shalt  }
.Lfunc_end2:
_tile_overlayer_lowered:
.L_overlay_start_2:
0x81: {  	(tag) =	ssettag $0x2  }
0x82: {  	s0 =	rddreg [dreg:$0x0];
	s2 =	stileid.u32  }
0x83: {  	s1 =	rddreg [dreg:$0x1];
	p0 =	sne.s32 s2, $0x0  }
0x84: {  	s3 =	rddreg [dreg:$0x2];
	[bflag:$0x3] =	sbarrier.arrive $0xFFFF;
	s2 =	simm.s32 @!p0 $0x1C02  }
0x85: {  	[timem:s3], [sflag:s2] =	dma.local @!p0 [hbm:s0], s1  }
0x86: {  	s0 =	simm.s32 @!p0 $0x2  }
0x87: {  	_ =	swait.ge @!p0 [sflag:s0], s1  }
0x88: {  	s1 =	ssub.s32 @!p0 $0x0, s1;
	[sflag:s0] =	ssyncset.done @!p0 $0x0  }
0x89: {  	[sflag:s0] =	ssyncadd.s32 @!p0 s1  }
0x8a: {  	[bflag:$0x3] =	sbarrier.arrive $0xFFFF  }
0x8b: {  	_ =	shalt  }

// kernel: kernel.9.cloned.1.call-start
scs
__scs_entry_jumppad:
0x0: {  	(pc) =	sbr.rel $0x88, $3  }
0x1: {  	(tag) =	ssettag $0x0;
	lr =	simm.s32 $0x1  }
0x2: {  	[smem:$0x3F9A] =	sst lr;
	_ =	strace $0xD0000000  }
0x3: {  	_ = 	snop  }
0x4: {  	_ = 	snop  }
0x5: {  	_ = 	snop  }
0x6: {  	_ = 	snop  }
0x7: {  	_ = 	snop  }
__scs_overlays_trampoline_lowered:
0x8: {  	[smem:$0x3FA9] =	sst s0  }
0x9: {  	[smem:$0x3FAA] =	sst s1  }
0xa: {  	[smem:$0x3FAB] =	sst s2  }
0xb: {  	[smem:$0x3FAC] =	sst s3  }
0xc: {  	[smem:$0x3FAD] =	sst s4  }
0xd: {  	[smem:$0x3FAE] =	sst s5  }
0xe: {  	[smem:$0x3FAF] =	sst s6  }
0xf: {  	[smem:$0x3FB0] =	sst s7  }
0x10: {  	[smem:$0x3FB1] =	sst s8  }
0x11: {  	[smem:$0x3FB2] =	sst s9;
	s0 =	simm.s32 @!p0 $0x0  }
0x12: {  	s1 =	sld [smem:$0x3F98];
	s0 =	simm.s32 @p0 $0x1  }
0x13: {  	[smem:$0x3FB3] =	sst s0;
	s0 =	simm.s32 @!p1 $0x0  }
0x14: {  	s2 =	sld [smem:$0x3F97];
	s0 =	simm.s32 @p1 $0x1  }
0x15: {  	[smem:$0x3FB4] =	sst s0;
	s0 =	simm.s32 @!p2 $0x0  }
0x16: {  	s3 =	sld [smem:$0x3FDB];
	s0 =	simm.s32 @p2 $0x1  }
0x17: {  	s4 =	simm.s32 $0x1BF5;
	[smem:$0x3FB6] =	sst s0  }
0x18: {  	s0 =	sld [smem:$0x3F99];
	_ =	swait.ge [sflag:s4], $0x0  }
0x19: {  	s7 =	sld [smem:$0x3F9A]  }
0x1a: {  	s8 =	sadd.s32 $0xFFFFE003, lr  }
0x1b: {  	s9 =	sadd.s32 $0xFFFFFEF7, lr;
	s5 =	simm.s32 $0xFFFFFFFF;
	p2 =	slt.u32 s8, $0xFFFFF086  }
0x1c: {  	p1 =	slt.u32 s9, $0xF7A;
	s5 =	simm.s32 @!p2 $0x0  }
0x1d: {  	s5 =	simm.s32 @p1 $0x1;
	p0 =	seq.s32 s7, s2  }
0x1e: {  	s7 =	smul.u32 @!p0 $0xF7A, s2;
	p2 =	seq.s32 @!p0 s5, $0x0  }
0x1f: {  	s9 =	smul.u32 $0xF7A, s1;
	s8 =	simm.s32 @!p0 $0x1BF5;
	p2 =	por !p2, p0  }
0x20: {  	[sflag:s8] =	ssyncset.s32 @!p0 $0xFFFFF086;
	s6 =	sadd.s32 @!p0 s3, s7;
	s7 =	simm.s32 @!p0 $0x108  }
0x21: {  	s3 =	sadd.s32 s3, s9;
	s6 =	sadd.s32 @!p0 $0x88, s6;
	s7 =	simm.s32 @p2 $0x1082  }
0x22: {  	[simem:s7], [sflag:s8] =	dma.local @!p0 [hbm:s6], $0xF7A  }
0x23: {  	s9 =	sor.u32 $0xD0000000, s2;
	s6 =	simm.s32 $0x108;
	_ =	swait.ge @!p0 [sflag:s8], $0x0  }
0x24: {  	s3 =	sadd.s32 $0x88, s3;
	s6 =	simm.s32 @!p1 $0x1082;
	[sflag:s4] =	ssyncset.s32 $0xFFFFF086  }
0x25: {  	[simem:s6], [sflag:s4] =	dma.local [hbm:s3], $0xF7A  }
0x26: {  	[smem:$0x3F9A] =	sst s1;
	(tag) =	ssettag s2;
	_ =	strace s9  }
0x27: {  	s1 =	sld [smem:$0x3FAA]  }
0x28: {  	s2 =	sld [smem:$0x3FAB]  }
0x29: {  	s4 =	sld [smem:$0x3FAD]  }
0x2a: {  	p0 =	seq.s32 s5, $0x0;
	s5 =	sld [smem:$0x3FAE]  }
0x2b: {  	s6 =	sld [smem:$0x3FAF]  }
0x2c: {  	s7 =	sld [smem:$0x3FB0]  }
0x2d: {  	s3 =	simm.s32 $0x108;
	s8 =	sld [smem:$0x3FB1]  }
0x2e: {  	s3 =	simm.s32 @!p0 $0x1082;
	s9 =	sld [smem:$0x3FB2]  }
0x2f: {  	lr =	sadd.s32 s0, s3;
	s0 =	sld [smem:$0x3FA9]  }
0x30: {  	s3 =	sld [smem:$0x3FAC]  }
0x31: {  	[smem:$0x3FB5] =	sst s10  }
0x32: {  	s10 =	sld [smem:$0x3FB3];
	_ =	sdelay $0x3  }
0x33: {  	p0 =	seq.s32 s10, $0x1;
	s10 =	sld [smem:$0x3FB5];
	_ =	sdelay $0x3  }
0x34: {  	[smem:$0x3FB5] =	sst s10  }
0x35: {  	s10 =	sld [smem:$0x3FB4];
	_ =	sdelay $0x3  }
0x36: {  	p1 =	seq.s32 s10, $0x1;
	s10 =	sld [smem:$0x3FB5];
	_ =	sdelay $0x3  }
0x37: {  	[smem:$0x3FB5] =	sst s10  }
0x38: {  	s10 =	sld [smem:$0x3FB6]  }
0x39: {  	_ = 	snop;
	(pc) =	sbr.ind lr, $3  }
0x3a: {  	_ = 	snop  }
0x3b: {  	_ = 	snop  }
0x3c: {  	p2 =	seq.s32 s10, $0x1;
	s10 =	sld [smem:$0x3FB5]  }
0x3d: {  	_ =	shalt  }
0x3e: {  	_ =	shalt  }
0x3f: {  	_ =	shalt  }
0x40: {  	_ =	shalt  }
0x41: {  	_ =	shalt  }
0x42: {  	_ =	shalt  }
0x43: {  	_ =	shalt  }
0x44: {  	_ =	shalt  }
0x45: {  	_ =	shalt  }
0x46: {  	_ =	shalt  }
0x47: {  	_ =	shalt  }
0x48: {  	_ =	shalt  }
0x49: {  	_ =	shalt  }
0x4a: {  	_ =	shalt  }
0x4b: {  	_ =	shalt  }
0x4c: {  	_ =	shalt  }
0x4d: {  	_ =	shalt  }
0x4e: {  	_ =	shalt  }
0x4f: {  	_ =	shalt  }
0x50: {  	_ =	shalt  }
0x51: {  	_ =	shalt  }
0x52: {  	_ =	shalt  }
0x53: {  	_ =	shalt  }
0x54: {  	_ =	shalt  }
0x55: {  	_ =	shalt  }
0x56: {  	_ =	shalt  }
0x57: {  	_ =	shalt  }
0x58: {  	_ =	shalt  }
0x59: {  	_ =	shalt  }
0x5a: {  	_ =	shalt  }
0x5b: {  	_ =	shalt  }
0x5c: {  	_ =	shalt  }
0x5d: {  	_ =	shalt  }
0x5e: {  	_ =	shalt  }
0x5f: {  	_ =	shalt  }
0x60: {  	_ =	shalt  }
0x61: {  	_ =	shalt  }
0x62: {  	_ =	shalt  }
0x63: {  	_ =	shalt  }
0x64: {  	_ =	shalt  }
0x65: {  	_ =	shalt  }
0x66: {  	_ =	shalt  }
0x67: {  	_ =	shalt  }
0x68: {  	_ =	shalt  }
0x69: {  	_ =	shalt  }
0x6a: {  	_ =	shalt  }
0x6b: {  	_ =	shalt  }
0x6c: {  	_ =	shalt  }
0x6d: {  	_ =	shalt  }
0x6e: {  	_ =	shalt  }
0x6f: {  	_ =	shalt  }
0x70: {  	_ =	shalt  }
0x71: {  	_ =	shalt  }
0x72: {  	_ =	shalt  }
0x73: {  	_ =	shalt  }
0x74: {  	_ =	shalt  }
0x75: {  	_ =	shalt  }
0x76: {  	_ =	shalt  }
0x77: {  	_ =	shalt  }
0x78: {  	_ =	shalt  }
0x79: {  	_ =	shalt  }
0x7a: {  	_ =	shalt  }
0x7b: {  	_ =	shalt  }
0x7c: {  	_ =	shalt  }
0x7d: {  	_ =	shalt  }
0x7e: {  	_ =	shalt  }
0x7f: {  	_ =	shalt  }
0x80: {  	_ =	shalt  }
0x81: {  	_ =	shalt  }
0x82: {  	_ =	shalt  }
0x83: {  	_ =	shalt  }
0x84: {  	_ =	shalt  }
0x85: {  	_ =	shalt  }
0x86: {  	_ =	shalt  }
0x87: {  	_ =	shalt  }
.Lfunc_end0:
.L_simem_size_0:
called_computation.1_lowered:
.L_overlay_start_0:
0x88: {  	s2 =	sld [smem:$0x3FD9]  }
0x89: {  	s3 =	sld [smem:$0x3FFE];
	_ =	sdelay $0x1  }
0x8a: {  	s1 =	srdreg.scid  }
0x8b: {  	s0 =	sand.u32 $0x1, s1  }
0x8c: {  	s17 =	sshll.u32 s0, $0xA;
	s2 =	sadd.s32 s3, s2  }
0x8d: {  	s2 =	sadd.s32 s2, s17  }
0x8e: {  	[smem:$0x3FC1] =	sst s2  }
0x8f: {  	_ = 	snop  }
0x90: {  	s2 =	sld [smem:$0x3FD0];
	(tm) =	ssettm $0x1  }
0x91: {  	s18 =	sld [smem:$0x3FFB];
	_ =	sdelay $0x3  }
0x92: {  	_ =	strace s18  }
0x93: {  	s3 =	sld [smem:$0x3FFC];
	_ =	sdelay $0x3  }
0x94: {  	_ =	strace s3  }
0x95: {  	s3 =	sld [smem:$0x3FFD];
	_ =	sdelay $0x3  }
0x96: {  	_ =	strace s3  }
0x97: {  	_ =	strace $0x8FFFFFFF  }
0x98: {  	s19 =	sld [smem:$0x3FDB];
	_ =	sdelay $0x1  }
0x99: {  	s4 =	simm.s32 $_scs_section_size  }
0x9a: {  	s5 =	simm.s32 $_size__tile_overlayer_lowered;
	s6 =	simm.s32 $_tile_overlayer_lowered  }
0x9b: {  	s22 =	simm.s32 $0x1BFF;
	s21 =	sshll.u32 s6, $0x1;
	s3 =	sadd.s32 s4, s19  }
0x9c: {  	s7 =	simm.s32 $0x0;
	s20 =	sshll.u32 s5, $0x1;
	s5 =	sadd.s32 s21, s3  }
0x9d: {  	[timem:s7], [sflag:s22] =	dma.local [hbm:s5], s20  }
0x9e: {  	_ =	swait.ge [sflag:s22], s20  }
0x9f: {  	s4 =	ssub.s32 $0x0, s20;
	[sflag:s22] =	ssyncset.done $0x0  }
0xa0: {  	[sflag:s22] =	ssyncadd.s32 s4;
	_ =	sdelay $0x1  }
0xa1: {  	s23 =	simm.s32 $0x1B8B  }
0xa2: {  	_ =	swait.ge [sflag:s23], $0x1  }
0xa3: {  	[sflag:s23] =	ssyncset.done $0x0  }
0xa4: {  	s25 =	simm.s32 $0x1B8E;
	s24 =	sld [smem:$0x3FFE];
	[sflag:s23] =	ssyncadd.s32 $0xFFFFFFFF  }
0xa5: {  	s26 =	simm.s32 $execute0_lowered;
	[smem:$0x3FD2] =	sst s25  }
0xa6: {  	s5 =	sshll.u32 s26, $0x1;
	_ =	strace $0x80000049;
	[dreg:$0x1] =	wrdreg $0xFFFFFFFF  }
0xa7: {  	s28 =	simm.s32 $_size_execute0_lowered;
	s3 =	sadd.s32 s3, s5;
	[dreg:$0x0] =	wrdreg $0x0  }
0xa8: {  	s5 =	sshll.u32 s28, $0x1;
	[dreg:$0x2] =	wrdreg s3  }
0xa9: {  	[dreg:$0x3] =	wrdreg s5  }
0xaa: {  	[dreg:$0x4] =	wrdreg $0xC0  }
0xab: {  	_ =	task [dreg:s7], $0x5FFFF  }
0xac: {  	[dreg:$0x1] =	wrdreg $0xFFFFFFFF  }
0xad: {  	[dreg:$0x0] =	wrdreg $0x60  }
0xae: {  	[dreg:$0x2] =	wrdreg s24  }
0xaf: {  	[dreg:$0x3] =	wrdreg s2  }
0xb0: {  	[dreg:$0x4] =	wrdreg $0x9  }
0xb1: {  	_ =	task.clear_ibuf [dreg:s7], $0x5FFFF;
	_ =	strace $0x90000049  }
0xb2: {  	s29 =	simm.s32 $0x9;
	_ =	strace $0x8000004B  }
0xb3: {  	_ =	swait.ge [sflag:s29], $0x1  }
0xb4: {  	[sflag:s29] =	ssyncadd.s32 $0xFFFFFFFF  }
0xb5: {  	_ =	strace $0x9000004B  }
0xb6: {  	_ =	sfence  }
0xb7: {  	s30 =	sld [smem:$0x0];
	_ =	sdelay $0x2  }
0xb8: {  	s31 =	sshll.u32 s1, $0xD;
	s1 =	sshrl.u32 s1, $0x2  }
0xb9: {  	s3 =	sand.u32 $0x4000, s31;
	s1 =	sadd.s32 s1, s30  }
0xba: {  	s0 =	sor.u32 s3, s0;
	s1 =	sshll.u32 s1, $0x11  }
0xbb: {  	s0 =	sor.u32 s1, s0  }
0xbc: {  	s0 =	sadd.s32 $0x8F2B, s0  }
0xbd: {  	[sflag:s0] =	ssyncadd.remote.s32 $0x1  }
0xbe: {  	_ =	sfence.sel $0xFFFF  }
0xbf: {  	[dreg:$0x0] =	wrdreg $0xFFFFFFFF;
	(pc) =	sbr.abs _section_cstart, $3  }
0xc0: {  	[dreg:$0x1] =	wrdreg $0xFFFFFFFF  }
0xc1: {  	_ =	task.clear_ibuf [dreg:s7], $0x2FFFF;
	_ =	strace $0x9FFFFFFF  }
0xc2: {  	(tm) =	ssettm $0x7FFFFFFF  }
0xc3: {  	_ =	shalt  }
tec
execute0_lowered:
.L_overlay_start_1:
0x0: {  	(tag) =	ssettag $0x1  }
0x1: {  	s1 =	srdreg.scid  }
0x2: {  	s0 =	stileid.u32;
	s6 =	rddreg [dreg:$0x0]  }
0x3: {  	s4 =	rddreg [dreg:$0x1];
	s18 =	simm.s32 $0x880;
	s19 =	simm.s32 $0x1080  }
0x4: {  	s20 =	simm.s32 $0x1880;
	s22 =	simm.s32 $0x2080;
	s23 =	simm.s32 $0x2880  }
0x5: {  	s7 =	simm.s32 $0x3080;
	s24 =	simm.s32 $0x3880;
	s8 =	simm.s32 $0x4080  }
0x6: {  	s25 =	simm.s32 $0x4880;
	s26 =	simm.s32 $0x5080;
	s1 =	sand.u32 $0x1, s1  }
0x7: {  	s9 =	simm.s32 $0x80;
	s2 =	sshll.u32 s0, $0x7;
	s3 =	sshll.u32 s1, $0x6  }
0x8: {  	s11 =	simm.s32 $0x6080;
	s3 =	sor.u32 s3, s2;
	s2 =	simm.s32 $0x0  }
0x9: {  	s12 =	simm.s32 $0x6880;
	s13 =	simm.s32 $0x7080;
	[smem:$0x7FF] =	sst s2  }
0xa: {  	s14 =	simm.s32 $0x7880;
	_ =	strace $0x8000004A;
	[dreg:$0x5] =	wrdreg s18  }
0xb: {  	s15 =	simm.s32 $0x8080;
	s16 =	simm.s32 $0x8880;
	[dreg:$0x6] =	wrdreg s19  }
0xc: {  	s17 =	simm.s32 $0x9080;
	s28 =	simm.s32 $0xE080;
	[dreg:$0x7] =	wrdreg s20  }
0xd: {  	s29 =	simm.s32 $0xE880;
	s30 =	simm.s32 $0xF080;
	[dreg:$0x8] =	wrdreg s22  }
0xe: {  	s31 =	simm.s32 $0xF880;
	s1 =	ssub.s32 $0x2, s1;
	[dreg:$0x9] =	wrdreg s23  }
0xf: {  	s21 =	sshrl.u32 s1, $0x1;
	s5 =	sshrl.u32 s3, $0x3;
	[dreg:$0xa] =	wrdreg s7  }
0x10: {  	s3 =	sshll.u32 s3, $0x7;
	s1 =	ssub.s32 s1, s21;
	[dreg:$0xb] =	wrdreg s24  }
0x11: {  	s21 =	simm.s32 $0xB080;
	s5 =	sadd.s32 s5, s6;
	[dreg:$0xc] =	wrdreg s8  }
0x12: {  	s3 =	sadd.s32 s4, s3;
	s4 =	sadd.s32 $0x51500, s6;
	[dreg:$0xd] =	wrdreg s25  }
0x13: {  	s7 =	smax.u32 s1, $0x1;
	s8 =	simm.s32 $0x2;
	[dreg:$0xe] =	wrdreg s26  }
0x14: {  	s18 =	simm.s32 $0x9880;
	s19 =	simm.s32 $0xA080;
	s20 =	simm.s32 $0xA880  }
0x15: {  	s22 =	simm.s32 $0xB880;
	s23 =	simm.s32 $0xC080;
	s24 =	simm.s32 $0xC880  }
0x16: {  	v2 =	vlaneseq.u32;
	s25 =	simm.s32 $0xD080;
	s26 =	simm.s32 $0xD880;
	s1 =	simm.s32 $0x1  }
0x17: {  	vm0 =	vmmov $0xffff;
	v1 =	vshrl.u32 v2, $0x3;
	s5 =	sadd.s32 $0x1200, s5;
	[dreg:$0x4] =	wrdreg s3;
	s3 =	sadd.s32 $0x51400, s6  }
0x18: {  	v0 =	vand.u32 $0x7, v2;
	v2 =	vor.u32 $0x8, v2;
	v1 =	vmul.u32 $0x8, v1;
	[dreg:$0x3] =	wrdreg s5;
	s5 =	sadd.s32 $0x51600, s6;
	s6 =	sadd.s32 $0x51700, s6  }
.LBB2_1:
0x19: {  	s0 =	rddreg [dreg:$0x3]  }
0x1a: {  	[tilespmem:s2], [sflag:$0x2] =	stream.linear.gather [hbm4b:s0+s2], $0x40, $0x38;
	[tilespmem:$0x10080] =	vst v63  }
0x1b: {  	_ =	swait.ge [sflag:s8], $0x40  }
0x1c: {  	[sflag:s8] =	ssyncset.done $0x0  }
0x1d: {  	[sflag:s8] =	ssyncadd.s32 $0xFFFFFFC0  }
0x1e: {  	v3 =	vld [tilespmem:$0x0];
	_ =	sdelay $0x4  }
0x1f: {  	v4 =	vshll.u32 v3, $0x3  }
0x20: {  	v3 =	vand.u32 $0x7, v3;
	v4 =	vand.u32 $0xFFFFFFC0, v4  }
0x21: {  	v3 =	vor.u32 v3, v4  }
0x22: {  	v4 =	vperm.xlane v3, v0;
	_ =	sdelay $0x1  }
0x23: {  	v4 =	vadd.s32 v1, v4;
	_ =	sdelay $0x4  }
0x24: {  	[tilespmem:s9], [sflag:$0x1] =	stream.indirect_vreg.gather [hbm4b:s3+s2], $0x80, v4, vm0, $0xb8;
	[tilespmem:$0x10080] =	vst v63  }
0x25: {  	s0 =	rddreg [dreg:$0x5];
	v3 =	vperm.xlane v3, v2  }
0x26: {  	[tilespmem:s0], [sflag:$0x1] =	stream.indirect_vreg.gather [hbm4b:s4+s2], $0x80, v4, vm0, $0xb8;
	[tilespmem:$0x10080] =	vst v63  }
0x27: {  	s10 =	rddreg [dreg:$0x6];
	v3 =	vadd.s32 v1, v3  }
0x28: {  	[tilespmem:s10], [sflag:$0x1] =	stream.indirect_vreg.gather [hbm4b:s5+s2], $0x80, v4, vm0, $0xb8;
	[tilespmem:$0x10080] =	vst v63  }
0x29: {  	s0 =	rddreg [dreg:$0x7]  }
0x2a: {  	[tilespmem:s0], [sflag:$0x1] =	stream.indirect_vreg.gather [hbm4b:s6+s2], $0x80, v4, vm0, $0xb8;
	[tilespmem:$0x10080] =	vst v63  }
0x2b: {  	s10 =	rddreg [dreg:$0x8]  }
0x2c: {  	[tilespmem:s10], [sflag:$0x1] =	stream.indirect_vreg.gather [hbm4b:s3+s2], $0x80, v3, vm0, $0xb8;
	[tilespmem:$0x10080] =	vst v63  }
0x2d: {  	s0 =	rddreg [dreg:$0x9]  }
0x2e: {  	[tilespmem:s0], [sflag:$0x1] =	stream.indirect_vreg.gather [hbm4b:s4+s2], $0x80, v3, vm0, $0xb8;
	[tilespmem:$0x10080] =	vst v63  }
0x2f: {  	s10 =	rddreg [dreg:$0xa]  }
0x30: {  	[tilespmem:s10], [sflag:$0x1] =	stream.indirect_vreg.gather [hbm4b:s5+s2], $0x80, v3, vm0, $0xb8;
	[tilespmem:$0x10080] =	vst v63  }
0x31: {  	s0 =	rddreg [dreg:$0xb]  }
0x32: {  	[tilespmem:s0], [sflag:$0x1] =	stream.indirect_vreg.gather [hbm4b:s6+s2], $0x80, v3, vm0, $0xb8;
	[tilespmem:$0x10080] =	vst v63  }
0x33: {  	v3 =	vld [tilespmem:$0x10];
	_ =	sdelay $0x4  }
0x34: {  	v61 =	vshll.u32 v3, $0x3  }
0x35: {  	v3 =	vand.u32 $0x7, v3;
	v4 =	vand.u32 $0xFFFFFFC0, v61  }
0x36: {  	v3 =	vor.u32 v3, v4  }
0x37: {  	v4 =	vperm.xlane v3, v0;
	_ =	sdelay $0x1  }
0x38: {  	v4 =	vadd.s32 v1, v4;
	_ =	sdelay $0x3  }
0x39: {  	s0 =	rddreg [dreg:$0xc]  }
0x3a: {  	[tilespmem:s0], [sflag:$0x1] =	stream.indirect_vreg.gather [hbm4b:s3+s2], $0x80, v4, vm0, $0xb8;
	[tilespmem:$0x10080] =	vst v63  }
0x3b: {  	s10 =	rddreg [dreg:$0xd];
	v3 =	vperm.xlane v3, v2  }
0x3c: {  	[tilespmem:s10], [sflag:$0x1] =	stream.indirect_vreg.gather [hbm4b:s4+s2], $0x80, v4, vm0, $0xb8;
	[tilespmem:$0x10080] =	vst v63  }
0x3d: {  	v3 =	vadd.s32 v1, v3;
	s0 =	rddreg [dreg:$0xe]  }
0x3e: {  	[tilespmem:s0], [sflag:$0x1] =	stream.indirect_vreg.gather [hbm4b:s5+s2], $0x80, v4, vm0, $0xb8;
	[tilespmem:$0x10080] =	vst v63  }
0x3f: {  	s10 =	simm.s32 $0x5880  }
0x40: {  	[tilespmem:s10], [sflag:$0x1] =	stream.indirect_vreg.gather [hbm4b:s6+s2], $0x80, v4, vm0, $0xb8;
	[tilespmem:$0x10080] =	vst v63  }
0x41: {  	_ = 	snop  }
0x42: {  	[tilespmem:s11], [sflag:$0x1] =	stream.indirect_vreg.gather [hbm4b:s3+s2], $0x80, v3, vm0, $0xb8;
	[tilespmem:$0x10080] =	vst v63  }
0x43: {  	_ = 	snop  }
0x44: {  	[tilespmem:s12], [sflag:$0x1] =	stream.indirect_vreg.gather [hbm4b:s4+s2], $0x80, v3, vm0, $0xb8;
	[tilespmem:$0x10080] =	vst v63  }
0x45: {  	_ = 	snop  }
0x46: {  	[tilespmem:s13], [sflag:$0x1] =	stream.indirect_vreg.gather [hbm4b:s5+s2], $0x80, v3, vm0, $0xb8;
	[tilespmem:$0x10080] =	vst v63  }
0x47: {  	_ = 	snop  }
0x48: {  	[tilespmem:s14], [sflag:$0x1] =	stream.indirect_vreg.gather [hbm4b:s6+s2], $0x80, v3, vm0, $0xb8;
	[tilespmem:$0x10080] =	vst v63  }
0x49: {  	v3 =	vld [tilespmem:$0x20];
	_ =	sdelay $0x4  }
0x4a: {  	v62 =	vshll.u32 v3, $0x3  }
0x4b: {  	v3 =	vand.u32 $0x7, v3;
	v4 =	vand.u32 $0xFFFFFFC0, v62  }
0x4c: {  	v3 =	vor.u32 v3, v4  }
0x4d: {  	v4 =	vperm.xlane v3, v0;
	_ =	sdelay $0x1  }
0x4e: {  	v4 =	vadd.s32 v1, v4;
	_ =	sdelay $0x4  }
0x4f: {  	[tilespmem:s15], [sflag:$0x1] =	stream.indirect_vreg.gather [hbm4b:s3+s2], $0x80, v4, vm0, $0xb8;
	[tilespmem:$0x10080] =	vst v63  }
0x50: {  	v3 =	vperm.xlane v3, v2  }
0x51: {  	[tilespmem:s16], [sflag:$0x1] =	stream.indirect_vreg.gather [hbm4b:s4+s2], $0x80, v4, vm0, $0xb8;
	[tilespmem:$0x10080] =	vst v63  }
0x52: {  	v3 =	vadd.s32 v1, v3  }
0x53: {  	[tilespmem:s17], [sflag:$0x1] =	stream.indirect_vreg.gather [hbm4b:s5+s2], $0x80, v4, vm0, $0xb8;
	[tilespmem:$0x10080] =	vst v63  }
0x54: {  	_ = 	snop  }
0x55: {  	[tilespmem:s18], [sflag:$0x1] =	stream.indirect_vreg.gather [hbm4b:s6+s2], $0x80, v4, vm0, $0xb8;
	[tilespmem:$0x10080] =	vst v63  }
0x56: {  	_ = 	snop  }
0x57: {  	[tilespmem:s19], [sflag:$0x1] =	stream.indirect_vreg.gather [hbm4b:s3+s2], $0x80, v3, vm0, $0xb8;
	[tilespmem:$0x10080] =	vst v63  }
0x58: {  	_ = 	snop  }
0x59: {  	[tilespmem:s20], [sflag:$0x1] =	stream.indirect_vreg.gather [hbm4b:s4+s2], $0x80, v3, vm0, $0xb8;
	[tilespmem:$0x10080] =	vst v63  }
0x5a: {  	_ = 	snop  }
0x5b: {  	[tilespmem:s21], [sflag:$0x1] =	stream.indirect_vreg.gather [hbm4b:s5+s2], $0x80, v3, vm0, $0xb8;
	[tilespmem:$0x10080] =	vst v63  }
0x5c: {  	_ = 	snop  }
0x5d: {  	[tilespmem:s22], [sflag:$0x1] =	stream.indirect_vreg.gather [hbm4b:s6+s2], $0x80, v3, vm0, $0xb8;
	[tilespmem:$0x10080] =	vst v63  }
0x5e: {  	v3 =	vld [tilespmem:$0x30];
	_ =	sdelay $0x4  }
0x5f: {  	v63 =	vshll.u32 v3, $0x3  }
0x60: {  	v3 =	vand.u32 $0x7, v3;
	v4 =	vand.u32 $0xFFFFFFC0, v63  }
0x61: {  	v3 =	vor.u32 v3, v4  }
0x62: {  	v4 =	vperm.xlane v3, v0;
	_ =	sdelay $0x1  }
0x63: {  	v4 =	vadd.s32 v1, v4;
	_ =	sdelay $0x4  }
0x64: {  	[tilespmem:s23], [sflag:$0x1] =	stream.indirect_vreg.gather [hbm4b:s3+s2], $0x80, v4, vm0, $0xb8;
	[tilespmem:$0x10080] =	vst v63  }
0x65: {  	v3 =	vperm.xlane v3, v2  }
0x66: {  	[tilespmem:s24], [sflag:$0x1] =	stream.indirect_vreg.gather [hbm4b:s4+s2], $0x80, v4, vm0, $0xb8;
	[tilespmem:$0x10080] =	vst v63  }
0x67: {  	v3 =	vadd.s32 v1, v3  }
0x68: {  	[tilespmem:s25], [sflag:$0x1] =	stream.indirect_vreg.gather [hbm4b:s5+s2], $0x80, v4, vm0, $0xb8;
	[tilespmem:$0x10080] =	vst v63  }
0x69: {  	_ = 	snop  }
0x6a: {  	[tilespmem:s26], [sflag:$0x1] =	stream.indirect_vreg.gather [hbm4b:s6+s2], $0x80, v4, vm0, $0xb8;
	[tilespmem:$0x10080] =	vst v63  }
0x6b: {  	_ = 	snop  }
0x6c: {  	[tilespmem:s28], [sflag:$0x1] =	stream.indirect_vreg.gather [hbm4b:s3+s2], $0x80, v3, vm0, $0xb8;
	[tilespmem:$0x10080] =	vst v63  }
0x6d: {  	_ = 	snop  }
0x6e: {  	[tilespmem:s29], [sflag:$0x1] =	stream.indirect_vreg.gather [hbm4b:s4+s2], $0x80, v3, vm0, $0xb8;
	[tilespmem:$0x10080] =	vst v63  }
0x6f: {  	_ = 	snop  }
0x70: {  	[tilespmem:s30], [sflag:$0x1] =	stream.indirect_vreg.gather [hbm4b:s5+s2], $0x80, v3, vm0, $0xb8;
	[tilespmem:$0x10080] =	vst v63  }
0x71: {  	_ = 	snop  }
0x72: {  	[tilespmem:s31], [sflag:$0x1] =	stream.indirect_vreg.gather [hbm4b:s6+s2], $0x80, v3, vm0, $0xb8;
	[tilespmem:$0x10080] =	vst v63  }
0x73: {  	_ =	swait.ge [sflag:s1], $0x10000  }
0x74: {  	p0 =	sne.s32 s7, $0x1;
	[sflag:s1] =	ssyncset.done $0x0  }
.Ltmp0:
0x75: {  	s10 =	rddreg [dreg:$0x4];
	[sflag:s1] =	ssyncadd.s32 $0xFFFF0000;
	(pc) =	sbr.rel @p0 .LBB2_1-.Ltmp0, $4  }
0x76: {  	[hbm4b:s10+s2] =	stream.linear.scatter [tilespmem:s9], [sflag:$0x2], $0x10000, $0x38;
	[tilespmem:$0x10080] =	vst v63  }
0x77: {  	_ =	swait.ge [sflag:s8], $0x10000  }
0x78: {  	[sflag:s8] =	ssyncset.done $0x0  }
0x79: {  	s7 =	sadd.s32 $0xFFFFFFFF, s7;
	[sflag:s8] =	ssyncadd.s32 $0xFFFF0000  }
0x7a: {  	_ =	sfence.sel $0x180000  }
0x7b: {  	[bflag:$0x0] =	sbarrier.arrive $0xFFFF  }
0x7c: {  	_ =	strace $0x9000004A  }
0x7d: {  	s0 =	stileid.u32;
	[bflag:$0x2] =	sbarrier.arrive $0xFFFF  }
0x7e: {  	p0 =	sne.s32 s0, $0x0;
	s0 =	rddreg [dreg:$0x2]  }
0x7f: {  	s0 =	sadd.s32 @!p0 $0x100000, s0  }
0x80: {  	[sflag:s0] =	ssyncadd.tile.s32 @!p0 $0x1;
	_ =	shalt  }
.Lfunc_end2:
_tile_overlayer_lowered:
.L_overlay_start_2:
0x81: {  	(tag) =	ssettag $0x2  }
0x82: {  	s0 =	rddreg [dreg:$0x0];
	s2 =	stileid.u32  }
0x83: {  	s1 =	rddreg [dreg:$0x1];
	p0 =	sne.s32 s2, $0x0  }
0x84: {  	s3 =	rddreg [dreg:$0x2];
	[bflag:$0x3] =	sbarrier.arrive $0xFFFF;
	s2 =	simm.s32 @!p0 $0x1C02  }
0x85: {  	[timem:s3], [sflag:s2] =	dma.local @!p0 [hbm:s0], s1  }
0x86: {  	s0 =	simm.s32 @!p0 $0x2  }
0x87: {  	_ =	swait.ge @!p0 [sflag:s0], s1  }
0x88: {  	s1 =	ssub.s32 @!p0 $0x0, s1;
	[sflag:s0] =	ssyncset.done @!p0 $0x0  }
0x89: {  	[sflag:s0] =	ssyncadd.s32 @!p0 s1  }
0x8a: {  	[bflag:$0x3] =	sbarrier.arrive $0xFFFF  }
0x8b: {  	_ =	shalt  }

</sc_bundles>
